<compile_context>
chip_gen: v7x
topology: tpu7x:2x2x1
jax: 0.10.2.dev20260603
libtpu: 0.0.44.dev20260713+nightly
codegen_flags: <defaults>
</compile_context>

<pallas_src>
import jax
import jax.numpy as jnp
from jax import lax
from jax.experimental import pallas as pl
from jax.experimental.pallas import tpu as pltpu
from jax.experimental.pallas import tpu_sc as plsc

NSEG = 4096
ROWS = 32768
FDIM = 128

NC = 2
NT = 16
LANES = 16
FH = FDIM // NC
RT = ROWS // NT
CH = 128
BCH = 512
NB = RT // BCH
KPB = BCH // CH
SEGT = NSEG // NT
CROWS = NSEG // CH

_mesh = plsc.VectorSubcoreMesh(
    core_axis_name="c", subcore_axis_name="s", num_cores=NC, num_subcores=NT
)


def _seg_mean_body(data_hbm, ids_hbm, out_hbm,
                   acc_sh, cnt_sh, ids_v, buf_v, zbuf_v, z2_v, cnt2d_v,
                   idx32_v, accv, cntv, recips_v, in_sems):
    c = lax.axis_index("c")
    s = lax.axis_index("s")

    def start_in(J, slot):
        row0 = s * RT + J * BCH
        return pltpu.async_copy(
            data_hbm.at[pl.ds(row0, BCH), pl.ds(c * FH, FH)],
            buf_v.at[slot], in_sems.at[slot])

    start_in(0, 0)
    start_in(1, 1)

    zero16 = jnp.zeros((LANES,), jnp.float32)
    one16 = jnp.ones((LANES,), jnp.float32)
    iota16 = lax.iota(jnp.int32, LANES)

    @pl.loop(0, CH)
    def _(i):
        for k in range(FH // LANES):
            zbuf_v[i, pl.ds(k * LANES, LANES)] = zero16

    @pl.loop(0, CROWS)
    def _(i):
        for k in range(CH // LANES):
            cnt2d_v[i, pl.ds(k * LANES, LANES)] = zero16

    for i in range(2):
        for k in range(CH // LANES):
            z2_v[i, pl.ds(k * LANES, LANES)] = zero16
    idx32_v[pl.ds(0, LANES)] = iota16
    idx32_v[pl.ds(LANES, LANES)] = iota16 + LANES

    pltpu.sync_copy(ids_hbm.at[s], ids_v)
    for k in range(SEGT // CH):
        pltpu.sync_copy(zbuf_v, acc_sh.at[pl.ds(s * SEGT + k * CH, CH)])
    pltpu.sync_copy(z2_v, cnt_sh.at[pl.ds(s * 2, 2)])

    @pl.loop(0, RT // LANES)
    def _(g):
        row = g // (CH // LANES)
        off = (g % (CH // LANES)) * LANES
        ids = ids_v[row, pl.ds(off, LANES)]
        plsc.addupdate_scatter(
            cnt2d_v, [lax.shift_right_logical(ids, 7),
                      lax.bitwise_and(ids, CH - 1)], one16)

    plsc.subcore_barrier()

    for J in range(NB):
        slot = J % 2
        pltpu.make_async_copy(
            data_hbm.at[pl.ds(s * RT + J * BCH, BCH), pl.ds(c * FH, FH)],
            buf_v.at[slot], in_sems.at[slot]).wait()
        for k in range(KPB):
            pltpu.sync_copy(buf_v.at[slot, pl.ds(k * CH, CH)],
                            acc_sh.at[ids_v.at[J * KPB + k]], add=True)
        if J + 2 < NB:
            start_in(J + 2, slot)

    pltpu.sync_copy(cnt2d_v, cnt_sh.at[idx32_v], add=True)

    plsc.subcore_barrier()

    pltpu.sync_copy(acc_sh.at[pl.ds(s * SEGT, SEGT)], accv)
    pltpu.sync_copy(cnt_sh.at[pl.ds(s * 2, 2)], cntv)

    for r in range(SEGT // CH):
        for g in range(CH // LANES):
            cvec = cntv[r, pl.ds(g * LANES, LANES)]
            recips_v[pl.ds(r * CH + g * LANES, LANES)] = (
                1.0 / jnp.maximum(cvec, one16))

    @pl.loop(0, SEGT)
    def _(row):
        recip = plsc.load_gather(recips_v, [jnp.broadcast_to(row, (LANES,))])
        for k in range(FH // LANES):
            sl = (row, pl.ds(k * LANES, LANES))
            accv[sl] = accv[sl] * recip

    pltpu.sync_copy(accv, out_hbm.at[pl.ds(s * SEGT, SEGT), pl.ds(c * FH, FH)])


@jax.jit
def kernel(data, segment_ids):
    ids3 = segment_ids.reshape(NT, RT // CH, CH)
    seg_mean = pl.kernel(
        _seg_mean_body,
        out_type=jax.ShapeDtypeStruct((NSEG, FDIM), jnp.float32),
        mesh=_mesh,
        compiler_params=pltpu.CompilerParams(
            use_tc_tiling_on_sc=False, needs_layout_passes=False),
        scratch_types=[
            pltpu.VMEM_SHARED((NSEG, FH), jnp.float32),
            pltpu.VMEM_SHARED((CROWS, CH), jnp.float32),
            pltpu.VMEM((RT // CH, CH), jnp.int32),
            pltpu.VMEM((2, BCH, FH), jnp.float32),
            pltpu.VMEM((CH, FH), jnp.float32),
            pltpu.VMEM((2, CH), jnp.float32),
            pltpu.VMEM((CROWS, CH), jnp.float32),
            pltpu.VMEM((CROWS,), jnp.int32),
            pltpu.VMEM((SEGT, FH), jnp.float32),
            pltpu.VMEM((2, CH), jnp.float32),
            pltpu.VMEM((SEGT,), jnp.float32),
            pltpu.SemaphoreType.DMA((2,)),
        ],
    )
    return seg_mean(data, ids3)

# --- scband reference (transcript-rebuilt; emitter-appended) ---
"""Pipeline reference for scband-ragged-collapse-hit-info-43688407335241 (READ-ONLY COPY).

The authoritative reference and input builder live on the scoring server;
editing this copy changes nothing except your own understanding.
"""

import jax, jax.numpy as jnp
import numpy as np

NUM_SEGMENTS = 4096
TOTAL_HITS = 32768
F = 128


def setup_inputs(seed: int = 0) -> dict:
    key = jax.random.key(seed)
    k1, k2 = jax.random.split(key)
    data = jax.random.normal(k1, (TOTAL_HITS, F), dtype=jnp.float32)
    segment_ids = jnp.sort(jax.random.randint(k2, (TOTAL_HITS,), 0, NUM_SEGMENTS, dtype=jnp.int32))
    return {"data": data, "segment_ids": segment_ids}


def reference(data, segment_ids):
    # RaggedCollapseHitInfo with operation='mean': tf.reduce_mean(inputs, axis=2)
    # over ragged [batch, cp, ragged hit, F]. Flattened (batch, cp) -> global segment id;
    # mean over the ragged hit dimension == segment mean of flat hits.
    seg_sum = jax.ops.segment_sum(data, segment_ids, num_segments=NUM_SEGMENTS)
    counts = jax.ops.segment_sum(
        jnp.ones((data.shape[0], 1), dtype=data.dtype), segment_ids, num_segments=NUM_SEGMENTS
    )
    return seg_sum / jnp.maximum(counts, 1.0)

if __name__ == "__main__":
    import jax
    _d = setup_inputs()
    print(jax.jit(kernel)(*tuple(_d.values())))

</pallas_src>

<mosaic_0001>
#map = affine_map<(d0, d1) -> (0, 0)>
#map1 = affine_map<(d0, d1) -> (0, 0, 0)>
module attributes {stable_mosaic.version = 14 : i64} {
  func.func @_seg_mean_body(%arg0: i32, %arg1: i32, %arg2: memref<32768x128xf32, #tpu.memory_space<hbm>>, %arg3: memref<16x16x128xi32, #tpu.memory_space<hbm>>, %arg4: memref<4096x128xf32, #tpu.memory_space<hbm>>, %arg5: memref<4096x64xf32, #tpu.memory_space<vmem_shared>>, %arg6: memref<32x128xf32, #tpu.memory_space<vmem_shared>>, %arg7: memref<16x128xi32, #tpu.memory_space<vmem>>, %arg8: memref<2x512x64xf32, #tpu.memory_space<vmem>>, %arg9: memref<128x64xf32, #tpu.memory_space<vmem>>, %arg10: memref<2x128xf32, #tpu.memory_space<vmem>>, %arg11: memref<32x128xf32, #tpu.memory_space<vmem>>, %arg12: memref<32xi32, #tpu.memory_space<vmem>>, %arg13: memref<256x64xf32, #tpu.memory_space<vmem>>, %arg14: memref<2x128xf32, #tpu.memory_space<vmem>>, %arg15: memref<256xf32, #tpu.memory_space<vmem>>, %arg16: memref<2x!tpu.dma_semaphore, #tpu.memory_space<semaphore_mem>>) attributes {dimension_semantics = [#tpu.dimension_semantics<core_parallel>, #tpu.dimension_semantics<subcore_parallel>], iteration_bounds = array<i64: 2, 16>, scalar_prefetch = 0 : i64, scratch_operands = 12 : i64, tpu.core_type = #tpu.core_type<sc_vector_subcore>, window_params = [{transform_indices = #map}, {transform_indices = #map1}, {transform_indices = #map}]} {
    %mul3A = arith.constant 2048 : i32
    %mul3A_0 = arith.muli %arg1, %mul3A : i32
    %add3A = arith.constant 0 : i32
    %add3A_1 = arith.addi %mul3A_0, %add3A : i32
    %mul3A_2 = arith.constant 64 : i32
    %mul3A_3 = arith.muli %arg0, %mul3A_2 : i32
    %dma_start3A = arith.constant 0 : i32
    %dma_start3A_4 = arith.constant 0 : i32
    %dma_start3A_5 = arith.constant 0 : i32
    %dma_start3A_6 = arith.constant 0 : i32
    %dma_start3A_7 = tpu.memref_slice %arg8[%dma_start3A, %dma_start3A_5, %dma_start3A_6] : memref<2x512x64xf32, #tpu.memory_space<vmem>> -> memref<1x512x64xf32, #tpu.memory_space<vmem>>
    %dma_start3A_8 = tpu.memref_squeeze %dma_start3A_7 : memref<1x512x64xf32, #tpu.memory_space<vmem>> -> memref<512x64xf32, #tpu.memory_space<vmem>>
    %dma_start3A_9 = tpu.memref_slice %arg2[%add3A_1, %mul3A_3] : memref<32768x128xf32, #tpu.memory_space<hbm>> -> memref<512x64xf32, #tpu.memory_space<hbm>>
    %dma_start3A_10 = tpu.memref_slice %arg16[%dma_start3A_4] : memref<2x!tpu.dma_semaphore, #tpu.memory_space<semaphore_mem>> -> memref<1x!tpu.dma_semaphore, #tpu.memory_space<semaphore_mem>>
    %dma_start3A_11 = tpu.memref_squeeze %dma_start3A_10 : memref<1x!tpu.dma_semaphore, #tpu.memory_space<semaphore_mem>> -> memref<!tpu.dma_semaphore, #tpu.memory_space<semaphore_mem>>
    %dma_start3A_12 = arith.constant 0 : i32
    %dma_start3A_13 = arith.constant 0 : i32
    %dma_start3A_14 = tpu.memref_slice %arg8[%dma_start3A, %dma_start3A_12, %dma_start3A_13] : memref<2x512x64xf32, #tpu.memory_space<vmem>> -> memref<1x512x64xf32, #tpu.memory_space<vmem>>
    %dma_start3A_15 = tpu.memref_squeeze %dma_start3A_14 : memref<1x512x64xf32, #tpu.memory_space<vmem>> -> memref<512x64xf32, #tpu.memory_space<vmem>>
    %dma_start3A_16 = tpu.memref_slice %arg2[%add3A_1, %mul3A_3] : memref<32768x128xf32, #tpu.memory_space<hbm>> -> memref<512x64xf32, #tpu.memory_space<hbm>>
    tpu.enqueue_dma source(%dma_start3A_16 : memref<512x64xf32, #tpu.memory_space<hbm>>) target(%dma_start3A_15 : memref<512x64xf32, #tpu.memory_space<vmem>>) target_semaphore(%dma_start3A_11 : memref<!tpu.dma_semaphore, #tpu.memory_space<semaphore_mem>>)
    %mul3A_17 = arith.constant 2048 : i32
    %mul3A_18 = arith.muli %arg1, %mul3A_17 : i32
    %add3A_19 = arith.constant 512 : i32
    %add3A_20 = arith.addi %mul3A_18, %add3A_19 : i32
    %mul3A_21 = arith.constant 64 : i32
    %mul3A_22 = arith.muli %arg0, %mul3A_21 : i32
    %dma_start3A_23 = arith.constant 1 : i32
    %dma_start3A_24 = arith.constant 1 : i32
    %dma_start3A_25 = arith.constant 0 : i32
    %dma_start3A_26 = arith.constant 0 : i32
    %dma_start3A_27 = tpu.memref_slice %arg8[%dma_start3A_23, %dma_start3A_25, %dma_start3A_26] : memref<2x512x64xf32, #tpu.memory_space<vmem>> -> memref<1x512x64xf32, #tpu.memory_space<vmem>>
    %dma_start3A_28 = tpu.memref_squeeze %dma_start3A_27 : memref<1x512x64xf32, #tpu.memory_space<vmem>> -> memref<512x64xf32, #tpu.memory_space<vmem>>
    %dma_start3A_29 = tpu.memref_slice %arg2[%add3A_20, %mul3A_22] : memref<32768x128xf32, #tpu.memory_space<hbm>> -> memref<512x64xf32, #tpu.memory_space<hbm>>
    %dma_start3A_30 = tpu.memref_slice %arg16[%dma_start3A_24] : memref<2x!tpu.dma_semaphore, #tpu.memory_space<semaphore_mem>> -> memref<1x!tpu.dma_semaphore, #tpu.memory_space<semaphore_mem>>
    %dma_start3A_31 = tpu.memref_squeeze %dma_start3A_30 : memref<1x!tpu.dma_semaphore, #tpu.memory_space<semaphore_mem>> -> memref<!tpu.dma_semaphore, #tpu.memory_space<semaphore_mem>>
    %dma_start3A_32 = arith.constant 0 : i32
    %dma_start3A_33 = arith.constant 0 : i32
    %dma_start3A_34 = tpu.memref_slice %arg8[%dma_start3A_23, %dma_start3A_32, %dma_start3A_33] : memref<2x512x64xf32, #tpu.memory_space<vmem>> -> memref<1x512x64xf32, #tpu.memory_space<vmem>>
    %dma_start3A_35 = tpu.memref_squeeze %dma_start3A_34 : memref<1x512x64xf32, #tpu.memory_space<vmem>> -> memref<512x64xf32, #tpu.memory_space<vmem>>
    %dma_start3A_36 = tpu.memref_slice %arg2[%add3A_20, %mul3A_22] : memref<32768x128xf32, #tpu.memory_space<hbm>> -> memref<512x64xf32, #tpu.memory_space<hbm>>
    tpu.enqueue_dma source(%dma_start3A_36 : memref<512x64xf32, #tpu.memory_space<hbm>>) target(%dma_start3A_35 : memref<512x64xf32, #tpu.memory_space<vmem>>) target_semaphore(%dma_start3A_31 : memref<!tpu.dma_semaphore, #tpu.memory_space<semaphore_mem>>)
    %broadcast_in_dim3A = arith.constant 0.000000e+00 : f32
    %broadcast_in_dim3A_37 = vector.broadcast %broadcast_in_dim3A : f32 to vector<16xf32>
    %broadcast_in_dim3A_38 = arith.constant 1.000000e+00 : f32
    %broadcast_in_dim3A_39 = vector.broadcast %broadcast_in_dim3A_38 : f32 to vector<16xf32>
    %iota3A = tpu.iota {dimensions = array<i32: 0>} : vector<16xi32>
    %scan3A = arith.constant 0 : i32
    %scan3A_40 = arith.constant 128 : i32
    %scan3A_41 = arith.addi %scan3A, %scan3A_40 : i32
    %scan3A_42 = arith.constant 1 : i32
    scf.for %scan3A_455 = %scan3A to %scan3A_41 step %scan3A_42  : i32 {
      %mul3A_456 = arith.constant 1 : i32
      %mul3A_457 = arith.muli %scan3A_455, %mul3A_456 : i32
      %add3A_458 = arith.constant 0 : i32
      %add3A_459 = arith.addi %add3A_458, %mul3A_457 : i32
      %swap3A_460 = arith.index_cast %add3A_459 : i32 to index
      %swap3A_461 = arith.constant 0 : index
      %swap3A_462 = tpu.vector_load %arg9[%swap3A_460, %swap3A_461] {strides = array<i32>} : memref<128x64xf32, #tpu.memory_space<vmem>>, vector<16xf32>,
      tpu.vector_store %arg9[%swap3A_460, %swap3A_461], %broadcast_in_dim3A_37 {strides = array<i32>} : memref<128x64xf32, #tpu.memory_space<vmem>>, vector<16xf32>,
      %swap3A_463 = arith.index_cast %add3A_459 : i32 to index
      %swap3A_464 = arith.constant 16 : index
      %swap3A_465 = tpu.vector_load %arg9[%swap3A_463, %swap3A_464] {strides = array<i32>} : memref<128x64xf32, #tpu.memory_space<vmem>>, vector<16xf32>,
      tpu.vector_store %arg9[%swap3A_463, %swap3A_464], %broadcast_in_dim3A_37 {strides = array<i32>} : memref<128x64xf32, #tpu.memory_space<vmem>>, vector<16xf32>,
      %swap3A_466 = arith.index_cast %add3A_459 : i32 to index
      %swap3A_467 = arith.constant 32 : index
      %swap3A_468 = tpu.vector_load %arg9[%swap3A_466, %swap3A_467] {strides = array<i32>} : memref<128x64xf32, #tpu.memory_space<vmem>>, vector<16xf32>,
      tpu.vector_store %arg9[%swap3A_466, %swap3A_467], %broadcast_in_dim3A_37 {strides = array<i32>} : memref<128x64xf32, #tpu.memory_space<vmem>>, vector<16xf32>,
      %swap3A_469 = arith.index_cast %add3A_459 : i32 to index
      %swap3A_470 = arith.constant 48 : index
      %swap3A_471 = tpu.vector_load %arg9[%swap3A_469, %swap3A_470] {strides = array<i32>} : memref<128x64xf32, #tpu.memory_space<vmem>>, vector<16xf32>,
      tpu.vector_store %arg9[%swap3A_469, %swap3A_470], %broadcast_in_dim3A_37 {strides = array<i32>} : memref<128x64xf32, #tpu.memory_space<vmem>>, vector<16xf32>,
    }
    %scan3A_43 = arith.constant 128 : i32
    %scan3A_44 = arith.constant 0 : i32
    %scan3A_45 = arith.constant 32 : i32
    %scan3A_46 = arith.addi %scan3A_44, %scan3A_45 : i32
    %scan3A_47 = arith.constant 1 : i32
    scf.for %scan3A_455 = %scan3A_44 to %scan3A_46 step %scan3A_47  : i32 {
      %mul3A_456 = arith.constant 1 : i32
      %mul3A_457 = arith.muli %scan3A_455, %mul3A_456 : i32
      %add3A_458 = arith.constant 0 : i32
      %add3A_459 = arith.addi %add3A_458, %mul3A_457 : i32
      %swap3A_460 = arith.index_cast %add3A_459 : i32 to index
      %swap3A_461 = arith.constant 0 : index
      %swap3A_462 = tpu.vector_load %arg11[%swap3A_460, %swap3A_461] {strides = array<i32>} : memref<32x128xf32, #tpu.memory_space<vmem>>, vector<16xf32>,
      tpu.vector_store %arg11[%swap3A_460, %swap3A_461], %broadcast_in_dim3A_37 {strides = array<i32>} : memref<32x128xf32, #tpu.memory_space<vmem>>, vector<16xf32>,
      %swap3A_463 = arith.index_cast %add3A_459 : i32 to index
      %swap3A_464 = arith.constant 16 : index
      %swap3A_465 = tpu.vector_load %arg11[%swap3A_463, %swap3A_464] {strides = array<i32>} : memref<32x128xf32, #tpu.memory_space<vmem>>, vector<16xf32>,
      tpu.vector_store %arg11[%swap3A_463, %swap3A_464], %broadcast_in_dim3A_37 {strides = array<i32>} : memref<32x128xf32, #tpu.memory_space<vmem>>, vector<16xf32>,
      %swap3A_466 = arith.index_cast %add3A_459 : i32 to index
      %swap3A_467 = arith.constant 32 : index
      %swap3A_468 = tpu.vector_load %arg11[%swap3A_466, %swap3A_467] {strides = array<i32>} : memref<32x128xf32, #tpu.memory_space<vmem>>, vector<16xf32>,
      tpu.vector_store %arg11[%swap3A_466, %swap3A_467], %broadcast_in_dim3A_37 {strides = array<i32>} : memref<32x128xf32, #tpu.memory_space<vmem>>, vector<16xf32>,
      %swap3A_469 = arith.index_cast %add3A_459 : i32 to index
      %swap3A_470 = arith.constant 48 : index
      %swap3A_471 = tpu.vector_load %arg11[%swap3A_469, %swap3A_470] {strides = array<i32>} : memref<32x128xf32, #tpu.memory_space<vmem>>, vector<16xf32>,
      tpu.vector_store %arg11[%swap3A_469, %swap3A_470], %broadcast_in_dim3A_37 {strides = array<i32>} : memref<32x128xf32, #tpu.memory_space<vmem>>, vector<16xf32>,
      %swap3A_472 = arith.index_cast %add3A_459 : i32 to index
      %swap3A_473 = arith.constant 64 : index
      %swap3A_474 = tpu.vector_load %arg11[%swap3A_472, %swap3A_473] {strides = array<i32>} : memref<32x128xf32, #tpu.memory_space<vmem>>, vector<16xf32>,
      tpu.vector_store %arg11[%swap3A_472, %swap3A_473], %broadcast_in_dim3A_37 {strides = array<i32>} : memref<32x128xf32, #tpu.memory_space<vmem>>, vector<16xf32>,
      %swap3A_475 = arith.index_cast %add3A_459 : i32 to index
      %swap3A_476 = arith.constant 80 : index
      %swap3A_477 = tpu.vector_load %arg11[%swap3A_475, %swap3A_476] {strides = array<i32>} : memref<32x128xf32, #tpu.memory_space<vmem>>, vector<16xf32>,
      tpu.vector_store %arg11[%swap3A_475, %swap3A_476], %broadcast_in_dim3A_37 {strides = array<i32>} : memref<32x128xf32, #tpu.memory_space<vmem>>, vector<16xf32>,
      %swap3A_478 = arith.index_cast %add3A_459 : i32 to index
      %swap3A_479 = arith.constant 96 : index
      %swap3A_480 = tpu.vector_load %arg11[%swap3A_478, %swap3A_479] {strides = array<i32>} : memref<32x128xf32, #tpu.memory_space<vmem>>, vector<16xf32>,
      tpu.vector_store %arg11[%swap3A_478, %swap3A_479], %broadcast_in_dim3A_37 {strides = array<i32>} : memref<32x128xf32, #tpu.memory_space<vmem>>, vector<16xf32>,
      %swap3A_481 = arith.index_cast %add3A_459 : i32 to index
      %swap3A_482 = arith.constant 112 : index
      %swap3A_483 = tpu.vector_load %arg11[%swap3A_481, %swap3A_482] {strides = array<i32>} : memref<32x128xf32, #tpu.memory_space<vmem>>, vector<16xf32>,
      tpu.vector_store %arg11[%swap3A_481, %swap3A_482], %broadcast_in_dim3A_37 {strides = array<i32>} : memref<32x128xf32, #tpu.memory_space<vmem>>, vector<16xf32>,
    }
    %scan3A_48 = arith.constant 32 : i32
    %swap3A = arith.constant 0 : i32
    %swap3A_49 = arith.index_cast %swap3A : i32 to index
    %swap3A_50 = arith.constant 0 : index
    %swap3A_51 = tpu.vector_load %arg10[%swap3A_49, %swap3A_50] {strides = array<i32>} : memref<2x128xf32, #tpu.memory_space<vmem>>, vector<16xf32>,
    tpu.vector_store %arg10[%swap3A_49, %swap3A_50], %broadcast_in_dim3A_37 {strides = array<i32>} : memref<2x128xf32, #tpu.memory_space<vmem>>, vector<16xf32>,
    %swap3A_52 = arith.constant 0 : i32
    %swap3A_53 = arith.index_cast %swap3A_52 : i32 to index
    %swap3A_54 = arith.constant 16 : index
    %swap3A_55 = tpu.vector_load %arg10[%swap3A_53, %swap3A_54] {strides = array<i32>} : memref<2x128xf32, #tpu.memory_space<vmem>>, vector<16xf32>,
    tpu.vector_store %arg10[%swap3A_53, %swap3A_54], %broadcast_in_dim3A_37 {strides = array<i32>} : memref<2x128xf32, #tpu.memory_space<vmem>>, vector<16xf32>,
    %swap3A_56 = arith.constant 0 : i32
    %swap3A_57 = arith.index_cast %swap3A_56 : i32 to index
    %swap3A_58 = arith.constant 32 : index
    %swap3A_59 = tpu.vector_load %arg10[%swap3A_57, %swap3A_58] {strides = array<i32>} : memref<2x128xf32, #tpu.memory_space<vmem>>, vector<16xf32>,
    tpu.vector_store %arg10[%swap3A_57, %swap3A_58], %broadcast_in_dim3A_37 {strides = array<i32>} : memref<2x128xf32, #tpu.memory_space<vmem>>, vector<16xf32>,
    %swap3A_60 = arith.constant 0 : i32
    %swap3A_61 = arith.index_cast %swap3A_60 : i32 to index
    %swap3A_62 = arith.constant 48 : index
    %swap3A_63 = tpu.vector_load %arg10[%swap3A_61, %swap3A_62] {strides = array<i32>} : memref<2x128xf32, #tpu.memory_space<vmem>>, vector<16xf32>,
    tpu.vector_store %arg10[%swap3A_61, %swap3A_62], %broadcast_in_dim3A_37 {strides = array<i32>} : memref<2x128xf32, #tpu.memory_space<vmem>>, vector<16xf32>,
    %swap3A_64 = arith.constant 0 : i32
    %swap3A_65 = arith.index_cast %swap3A_64 : i32 to index
    %swap3A_66 = arith.constant 64 : index
    %swap3A_67 = tpu.vector_load %arg10[%swap3A_65, %swap3A_66] {strides = array<i32>} : memref<2x128xf32, #tpu.memory_space<vmem>>, vector<16xf32>,
    tpu.vector_store %arg10[%swap3A_65, %swap3A_66], %broadcast_in_dim3A_37 {strides = array<i32>} : memref<2x128xf32, #tpu.memory_space<vmem>>, vector<16xf32>,
    %swap3A_68 = arith.constant 0 : i32
    %swap3A_69 = arith.index_cast %swap3A_68 : i32 to index
    %swap3A_70 = arith.constant 80 : index
    %swap3A_71 = tpu.vector_load %arg10[%swap3A_69, %swap3A_70] {strides = array<i32>} : memref<2x128xf32, #tpu.memory_space<vmem>>, vector<16xf32>,
    tpu.vector_store %arg10[%swap3A_69, %swap3A_70], %broadcast_in_dim3A_37 {strides = array<i32>} : memref<2x128xf32, #tpu.memory_space<vmem>>, vector<16xf32>,
    %swap3A_72 = arith.constant 0 : i32
    %swap3A_73 = arith.index_cast %swap3A_72 : i32 to index
    %swap3A_74 = arith.constant 96 : index
    %swap3A_75 = tpu.vector_load %arg10[%swap3A_73, %swap3A_74] {strides = array<i32>} : memref<2x128xf32, #tpu.memory_space<vmem>>, vector<16xf32>,
    tpu.vector_store %arg10[%swap3A_73, %swap3A_74], %broadcast_in_dim3A_37 {strides = array<i32>} : memref<2x128xf32, #tpu.memory_space<vmem>>, vector<16xf32>,
    %swap3A_76 = arith.constant 0 : i32
    %swap3A_77 = arith.index_cast %swap3A_76 : i32 to index
    %swap3A_78 = arith.constant 112 : index
    %swap3A_79 = tpu.vector_load %arg10[%swap3A_77, %swap3A_78] {strides = array<i32>} : memref<2x128xf32, #tpu.memory_space<vmem>>, vector<16xf32>,
    tpu.vector_store %arg10[%swap3A_77, %swap3A_78], %broadcast_in_dim3A_37 {strides = array<i32>} : memref<2x128xf32, #tpu.memory_space<vmem>>, vector<16xf32>,
    %swap3A_80 = arith.constant 1 : i32
    %swap3A_81 = arith.index_cast %swap3A_80 : i32 to index
    %swap3A_82 = arith.constant 0 : index
    %swap3A_83 = tpu.vector_load %arg10[%swap3A_81, %swap3A_82] {strides = array<i32>} : memref<2x128xf32, #tpu.memory_space<vmem>>, vector<16xf32>,
    tpu.vector_store %arg10[%swap3A_81, %swap3A_82], %broadcast_in_dim3A_37 {strides = array<i32>} : memref<2x128xf32, #tpu.memory_space<vmem>>, vector<16xf32>,
    %swap3A_84 = arith.constant 1 : i32
    %swap3A_85 = arith.index_cast %swap3A_84 : i32 to index
    %swap3A_86 = arith.constant 16 : index
    %swap3A_87 = tpu.vector_load %arg10[%swap3A_85, %swap3A_86] {strides = array<i32>} : memref<2x128xf32, #tpu.memory_space<vmem>>, vector<16xf32>,
    tpu.vector_store %arg10[%swap3A_85, %swap3A_86], %broadcast_in_dim3A_37 {strides = array<i32>} : memref<2x128xf32, #tpu.memory_space<vmem>>, vector<16xf32>,
    %swap3A_88 = arith.constant 1 : i32
    %swap3A_89 = arith.index_cast %swap3A_88 : i32 to index
    %swap3A_90 = arith.constant 32 : index
    %swap3A_91 = tpu.vector_load %arg10[%swap3A_89, %swap3A_90] {strides = array<i32>} : memref<2x128xf32, #tpu.memory_space<vmem>>, vector<16xf32>,
    tpu.vector_store %arg10[%swap3A_89, %swap3A_90], %broadcast_in_dim3A_37 {strides = array<i32>} : memref<2x128xf32, #tpu.memory_space<vmem>>, vector<16xf32>,
    %swap3A_92 = arith.constant 1 : i32
    %swap3A_93 = arith.index_cast %swap3A_92 : i32 to index
    %swap3A_94 = arith.constant 48 : index
    %swap3A_95 = tpu.vector_load %arg10[%swap3A_93, %swap3A_94] {strides = array<i32>} : memref<2x128xf32, #tpu.memory_space<vmem>>, vector<16xf32>,
    tpu.vector_store %arg10[%swap3A_93, %swap3A_94], %broadcast_in_dim3A_37 {strides = array<i32>} : memref<2x128xf32, #tpu.memory_space<vmem>>, vector<16xf32>,
    %swap3A_96 = arith.constant 1 : i32
    %swap3A_97 = arith.index_cast %swap3A_96 : i32 to index
    %swap3A_98 = arith.constant 64 : index
    %swap3A_99 = tpu.vector_load %arg10[%swap3A_97, %swap3A_98] {strides = array<i32>} : memref<2x128xf32, #tpu.memory_space<vmem>>, vector<16xf32>,
    tpu.vector_store %arg10[%swap3A_97, %swap3A_98], %broadcast_in_dim3A_37 {strides = array<i32>} : memref<2x128xf32, #tpu.memory_space<vmem>>, vector<16xf32>,
    %swap3A_100 = arith.constant 1 : i32
    %swap3A_101 = arith.index_cast %swap3A_100 : i32 to index
    %swap3A_102 = arith.constant 80 : index
    %swap3A_103 = tpu.vector_load %arg10[%swap3A_101, %swap3A_102] {strides = array<i32>} : memref<2x128xf32, #tpu.memory_space<vmem>>, vector<16xf32>,
    tpu.vector_store %arg10[%swap3A_101, %swap3A_102], %broadcast_in_dim3A_37 {strides = array<i32>} : memref<2x128xf32, #tpu.memory_space<vmem>>, vector<16xf32>,
    %swap3A_104 = arith.constant 1 : i32
    %swap3A_105 = arith.index_cast %swap3A_104 : i32 to index
    %swap3A_106 = arith.constant 96 : index
    %swap3A_107 = tpu.vector_load %arg10[%swap3A_105, %swap3A_106] {strides = array<i32>} : memref<2x128xf32, #tpu.memory_space<vmem>>, vector<16xf32>,
    tpu.vector_store %arg10[%swap3A_105, %swap3A_106], %broadcast_in_dim3A_37 {strides = array<i32>} : memref<2x128xf32, #tpu.memory_space<vmem>>, vector<16xf32>,
    %swap3A_108 = arith.constant 1 : i32
    %swap3A_109 = arith.index_cast %swap3A_108 : i32 to index
    %swap3A_110 = arith.constant 112 : index
    %swap3A_111 = tpu.vector_load %arg10[%swap3A_109, %swap3A_110] {strides = array<i32>} : memref<2x128xf32, #tpu.memory_space<vmem>>, vector<16xf32>,
    tpu.vector_store %arg10[%swap3A_109, %swap3A_110], %broadcast_in_dim3A_37 {strides = array<i32>} : memref<2x128xf32, #tpu.memory_space<vmem>>, vector<16xf32>,
    %swap3A_112 = arith.constant 0 : index
    %swap3A_113 = tpu.vector_load %arg12[%swap3A_112] {strides = array<i32>} : memref<32xi32, #tpu.memory_space<vmem>>, vector<16xi32>,
    tpu.vector_store %arg12[%swap3A_112], %iota3A {strides = array<i32>} : memref<32xi32, #tpu.memory_space<vmem>>, vector<16xi32>,
    %add3A_114 = arith.constant 16 : i32
    %add3A_115 = vector.broadcast %add3A_114 : i32 to vector<16xi32>
    %add3A_116 = arith.addi %iota3A, %add3A_115 : vector<16xi32>
    %swap3A_117 = arith.constant 16 : index
    %swap3A_118 = tpu.vector_load %arg12[%swap3A_117] {strides = array<i32>} : memref<32xi32, #tpu.memory_space<vmem>>, vector<16xi32>,
    tpu.vector_store %arg12[%swap3A_117], %add3A_116 {strides = array<i32>} : memref<32xi32, #tpu.memory_space<vmem>>, vector<16xi32>,
    "tpu.region"() ({
      %run_scoped3A_455 = tpu.sem_alloc : memref<!tpu.dma_semaphore, #tpu.memory_space<semaphore_mem>>
      %dma_start3A_456 = arith.constant 0 : i32
      %dma_start3A_457 = arith.constant 0 : i32
      %dma_start3A_458 = tpu.memref_slice %arg3[%arg1, %dma_start3A_456, %dma_start3A_457] : memref<16x16x128xi32, #tpu.memory_space<hbm>> -> memref<1x16x128xi32, #tpu.memory_space<hbm>>
      %dma_start3A_459 = tpu.memref_squeeze %dma_start3A_458 : memref<1x16x128xi32, #tpu.memory_space<hbm>> -> memref<16x128xi32, #tpu.memory_space<hbm>>
      %dma_start3A_460 = arith.constant 0 : i32
      %dma_start3A_461 = arith.constant 0 : i32
      %dma_start3A_462 = tpu.memref_slice %arg3[%arg1, %dma_start3A_460, %dma_start3A_461] : memref<16x16x128xi32, #tpu.memory_space<hbm>> -> memref<1x16x128xi32, #tpu.memory_space<hbm>>
      %dma_start3A_463 = tpu.memref_squeeze %dma_start3A_462 : memref<1x16x128xi32, #tpu.memory_space<hbm>> -> memref<16x128xi32, #tpu.memory_space<hbm>>
      tpu.enqueue_dma source(%dma_start3A_463 : memref<16x128xi32, #tpu.memory_space<hbm>>) target(%arg7 : memref<16x128xi32, #tpu.memory_space<vmem>>) target_semaphore(%run_scoped3A_455 : memref<!tpu.dma_semaphore, #tpu.memory_space<semaphore_mem>>)
      %dma_wait3A_464 = arith.constant 0 : i32
      %dma_wait3A_465 = arith.constant 0 : i32
      %dma_wait3A_466 = tpu.memref_slice %arg3[%arg1, %dma_wait3A_464, %dma_wait3A_465] : memref<16x16x128xi32, #tpu.memory_space<hbm>> -> memref<1x16x128xi32, #tpu.memory_space<hbm>>
      %dma_wait3A_467 = tpu.memref_squeeze %dma_wait3A_466 : memref<1x16x128xi32, #tpu.memory_space<hbm>> -> memref<16x128xi32, #tpu.memory_space<hbm>>
      %dma_wait3A_468 = arith.constant 0 : i32
      %dma_wait3A_469 = arith.constant 0 : i32
      %dma_wait3A_470 = tpu.memref_slice %arg3[%arg1, %dma_wait3A_468, %dma_wait3A_469] : memref<16x16x128xi32, #tpu.memory_space<hbm>> -> memref<1x16x128xi32, #tpu.memory_space<hbm>>
      %dma_wait3A_471 = tpu.memref_squeeze %dma_wait3A_470 : memref<1x16x128xi32, #tpu.memory_space<hbm>> -> memref<16x128xi32, #tpu.memory_space<hbm>>
      tpu.wait_dma2 semaphore(%run_scoped3A_455 : memref<!tpu.dma_semaphore, #tpu.memory_space<semaphore_mem>>) src(%dma_wait3A_471 : memref<16x128xi32, #tpu.memory_space<hbm>>) dst(%arg7 : memref<16x128xi32, #tpu.memory_space<vmem>>)
      tpu.yield
    }) : () -> ()
    %mul3A_119 = arith.constant 256 : i32
    %mul3A_120 = arith.muli %arg1, %mul3A_119 : i32
    %add3A_121 = arith.constant 0 : i32
    %add3A_122 = arith.addi %mul3A_120, %add3A_121 : i32
    "tpu.region"() ({
      %run_scoped3A_455 = tpu.sem_alloc : memref<!tpu.dma_semaphore, #tpu.memory_space<semaphore_mem>>
      %dma_start3A_456 = arith.constant 0 : i32
      %dma_start3A_457 = tpu.memref_slice %arg5[%add3A_122, %dma_start3A_456] : memref<4096x64xf32, #tpu.memory_space<vmem_shared>> -> memref<128x64xf32, #tpu.memory_space<vmem_shared>>
      %dma_start3A_458 = arith.constant 0 : i32
      %dma_start3A_459 = tpu.memref_slice %arg5[%add3A_122, %dma_start3A_458] : memref<4096x64xf32, #tpu.memory_space<vmem_shared>> -> memref<128x64xf32, #tpu.memory_space<vmem_shared>>
      tpu.enqueue_dma source(%arg9 : memref<128x64xf32, #tpu.memory_space<vmem>>) target(%dma_start3A_459 : memref<128x64xf32, #tpu.memory_space<vmem_shared>>) target_semaphore(%run_scoped3A_455 : memref<!tpu.dma_semaphore, #tpu.memory_space<semaphore_mem>>)
      %dma_wait3A_460 = arith.constant 0 : i32
      %dma_wait3A_461 = tpu.memref_slice %arg5[%add3A_122, %dma_wait3A_460] : memref<4096x64xf32, #tpu.memory_space<vmem_shared>> -> memref<128x64xf32, #tpu.memory_space<vmem_shared>>
      %dma_wait3A_462 = arith.constant 0 : i32
      %dma_wait3A_463 = tpu.memref_slice %arg5[%add3A_122, %dma_wait3A_462] : memref<4096x64xf32, #tpu.memory_space<vmem_shared>> -> memref<128x64xf32, #tpu.memory_space<vmem_shared>>
      tpu.wait_dma2 semaphore(%run_scoped3A_455 : memref<!tpu.dma_semaphore, #tpu.memory_space<semaphore_mem>>) src(%arg9 : memref<128x64xf32, #tpu.memory_space<vmem>>) dst(%dma_wait3A_463 : memref<128x64xf32, #tpu.memory_space<vmem_shared>>)
      tpu.yield
    }) : () -> ()
    %mul3A_123 = arith.constant 256 : i32
    %mul3A_124 = arith.muli %arg1, %mul3A_123 : i32
    %add3A_125 = arith.constant 128 : i32
    %add3A_126 = arith.addi %mul3A_124, %add3A_125 : i32
    "tpu.region"() ({
      %run_scoped3A_455 = tpu.sem_alloc : memref<!tpu.dma_semaphore, #tpu.memory_space<semaphore_mem>>
      %dma_start3A_456 = arith.constant 0 : i32
      %dma_start3A_457 = tpu.memref_slice %arg5[%add3A_126, %dma_start3A_456] : memref<4096x64xf32, #tpu.memory_space<vmem_shared>> -> memref<128x64xf32, #tpu.memory_space<vmem_shared>>
      %dma_start3A_458 = arith.constant 0 : i32
      %dma_start3A_459 = tpu.memref_slice %arg5[%add3A_126, %dma_start3A_458] : memref<4096x64xf32, #tpu.memory_space<vmem_shared>> -> memref<128x64xf32, #tpu.memory_space<vmem_shared>>
      tpu.enqueue_dma source(%arg9 : memref<128x64xf32, #tpu.memory_space<vmem>>) target(%dma_start3A_459 : memref<128x64xf32, #tpu.memory_space<vmem_shared>>) target_semaphore(%run_scoped3A_455 : memref<!tpu.dma_semaphore, #tpu.memory_space<semaphore_mem>>)
      %dma_wait3A_460 = arith.constant 0 : i32
      %dma_wait3A_461 = tpu.memref_slice %arg5[%add3A_126, %dma_wait3A_460] : memref<4096x64xf32, #tpu.memory_space<vmem_shared>> -> memref<128x64xf32, #tpu.memory_space<vmem_shared>>
      %dma_wait3A_462 = arith.constant 0 : i32
      %dma_wait3A_463 = tpu.memref_slice %arg5[%add3A_126, %dma_wait3A_462] : memref<4096x64xf32, #tpu.memory_space<vmem_shared>> -> memref<128x64xf32, #tpu.memory_space<vmem_shared>>
      tpu.wait_dma2 semaphore(%run_scoped3A_455 : memref<!tpu.dma_semaphore, #tpu.memory_space<semaphore_mem>>) src(%arg9 : memref<128x64xf32, #tpu.memory_space<vmem>>) dst(%dma_wait3A_463 : memref<128x64xf32, #tpu.memory_space<vmem_shared>>)
      tpu.yield
    }) : () -> ()
    %mul3A_127 = arith.constant 2 : i32
    %mul3A_128 = arith.muli %arg1, %mul3A_127 : i32
    "tpu.region"() ({
      %run_scoped3A_455 = tpu.sem_alloc : memref<!tpu.dma_semaphore, #tpu.memory_space<semaphore_mem>>
      %dma_start3A_456 = arith.constant 0 : i32
      %dma_start3A_457 = tpu.memref_slice %arg6[%mul3A_128, %dma_start3A_456] : memref<32x128xf32, #tpu.memory_space<vmem_shared>> -> memref<2x128xf32, #tpu.memory_space<vmem_shared>>
      %dma_start3A_458 = arith.constant 0 : i32
      %dma_start3A_459 = tpu.memref_slice %arg6[%mul3A_128, %dma_start3A_458] : memref<32x128xf32, #tpu.memory_space<vmem_shared>> -> memref<2x128xf32, #tpu.memory_space<vmem_shared>>
      tpu.enqueue_dma source(%arg10 : memref<2x128xf32, #tpu.memory_space<vmem>>) target(%dma_start3A_459 : memref<2x128xf32, #tpu.memory_space<vmem_shared>>) target_semaphore(%run_scoped3A_455 : memref<!tpu.dma_semaphore, #tpu.memory_space<semaphore_mem>>)
      %dma_wait3A_460 = arith.constant 0 : i32
      %dma_wait3A_461 = tpu.memref_slice %arg6[%mul3A_128, %dma_wait3A_460] : memref<32x128xf32, #tpu.memory_space<vmem_shared>> -> memref<2x128xf32, #tpu.memory_space<vmem_shared>>
      %dma_wait3A_462 = arith.constant 0 : i32
      %dma_wait3A_463 = tpu.memref_slice %arg6[%mul3A_128, %dma_wait3A_462] : memref<32x128xf32, #tpu.memory_space<vmem_shared>> -> memref<2x128xf32, #tpu.memory_space<vmem_shared>>
      tpu.wait_dma2 semaphore(%run_scoped3A_455 : memref<!tpu.dma_semaphore, #tpu.memory_space<semaphore_mem>>) src(%arg10 : memref<2x128xf32, #tpu.memory_space<vmem>>) dst(%dma_wait3A_463 : memref<2x128xf32, #tpu.memory_space<vmem_shared>>)
      tpu.yield
    }) : () -> ()
    %scan3A_129 = arith.constant 0 : i32
    %scan3A_130 = arith.constant 128 : i32
    %scan3A_131 = arith.addi %scan3A_129, %scan3A_130 : i32
    %scan3A_132 = arith.constant 1 : i32
    scf.for %scan3A_455 = %scan3A_129 to %scan3A_131 step %scan3A_132  : i32 {
      %mul3A_456 = arith.constant 1 : i32
      %mul3A_457 = arith.muli %scan3A_455, %mul3A_456 : i32
      %add3A_458 = arith.constant 0 : i32
      %add3A_459 = arith.addi %add3A_458, %mul3A_457 : i32
      %jit3A = arith.constant 8 : i32
      %div3A_460 = arith.divsi %add3A_459, %jit3A : i32
      %sign3A = arith.constant 0 : i32
      %sign3A_461 = arith.cmpi sgt, %add3A_459, %sign3A : i32
      %sign3A_462 = arith.extui %sign3A_461 : i1 to i32
      %sign3A_463 = arith.constant 0 : i32
      %sign3A_464 = arith.cmpi slt, %add3A_459, %sign3A_463 : i32
      %sign3A_465 = arith.extui %sign3A_464 : i1 to i32
      %sign3A_466 = arith.subi %sign3A_462, %sign3A_465 : i32
      %sign3A_467 = arith.constant 0 : i32
      %sign3A_468 = arith.cmpi sgt, %jit3A, %sign3A_467 : i32
      %sign3A_469 = arith.extui %sign3A_468 : i1 to i32
      %sign3A_470 = arith.constant 0 : i32
      %sign3A_471 = arith.cmpi slt, %jit3A, %sign3A_470 : i32
      %sign3A_472 = arith.extui %sign3A_471 : i1 to i32
      %sign3A_473 = arith.subi %sign3A_469, %sign3A_472 : i32
      %ne3A = arith.cmpi ne, %sign3A_466, %sign3A_473 : i32
      %rem3A = arith.remsi %add3A_459, %jit3A : i32
      %ne3A_474 = arith.constant 0 : i32
      %ne3A_475 = arith.cmpi ne, %rem3A, %ne3A_474 : i32
      %and3A = arith.andi %ne3A, %ne3A_475 : i1
      %sub3A = arith.constant 1 : i32
      %sub3A_476 = arith.subi %div3A_460, %sub3A : i32
      %select_n3A = arith.select %and3A, %sub3A_476, %div3A_460 : i32
      %jit3A_477 = arith.constant 8 : i32
      %eq3A = arith.constant 0 : i32
      %eq3A_478 = arith.cmpi eq, %jit3A_477, %eq3A : i32
      %jit3A_479 = arith.constant 1 : i32
      %select_n3A_480 = arith.select %eq3A_478, %jit3A_479, %jit3A_477 : i32
      %rem3A_481 = arith.remsi %add3A_459, %select_n3A_480 : i32
      %ne3A_482 = arith.constant 0 : i32
      %ne3A_483 = arith.cmpi ne, %rem3A_481, %ne3A_482 : i32
      %lt3A = arith.constant 0 : i32
      %lt3A_484 = arith.cmpi slt, %rem3A_481, %lt3A : i32
      %lt3A_485 = arith.constant 0 : i32
      %lt3A_486 = arith.cmpi slt, %select_n3A_480, %lt3A_485 : i32
      %ne3A_487 = arith.xori %lt3A_484, %lt3A_486 : i1
      %and3A_488 = arith.andi %ne3A_487, %ne3A_483 : i1
      %add3A_489 = arith.addi %rem3A_481, %select_n3A_480 : i32
      %select_n3A_490 = arith.select %and3A_488, %add3A_489, %rem3A_481 : i32
      %mul3A_491 = arith.constant 16 : i32
      %mul3A_492 = arith.muli %select_n3A_490, %mul3A_491 : i32
      %get3A_493 = arith.index_cast %select_n3A : i32 to index
      %get3A_494 = arith.index_cast %mul3A_492 : i32 to index
      %get3A_495 = tpu.vector_load %arg7[%get3A_493, %get3A_494] {strides = array<i32>} : memref<16x128xi32, #tpu.memory_space<vmem>>, vector<16xi32>,
      %shift_right_logical3A = arith.constant 7 : i32
      %shift_right_logical3A_496 = vector.broadcast %shift_right_logical3A : i32 to vector<16xi32>
      %shift_right_logical3A_497 = arith.shrui %get3A_495, %shift_right_logical3A_496 : vector<16xi32>
      %and3A_498 = arith.constant 127 : i32
      %and3A_499 = vector.broadcast %and3A_498 : i32 to vector<16xi32>
      %and3A_500 = arith.andi %get3A_495, %and3A_499 : vector<16xi32>
      tpu.vector_store_idx %arg11[%shift_right_logical3A_497, %and3A_500], %broadcast_in_dim3A_39 {add = true} : memref<32x128xf32, #tpu.memory_space<vmem>>[vector<16xi32>, vector<16xi32>], vector<16xf32>,
    }
    %scan3A_133 = arith.constant 128 : i32
    %barrier3A = arith.constant 0 : index
    tpu.barrier barrier_id(%barrier3A)
    %mul3A_134 = arith.constant 2048 : i32
    %mul3A_135 = arith.muli %arg1, %mul3A_134 : i32
    %add3A_136 = arith.constant 0 : i32
    %add3A_137 = arith.addi %mul3A_135, %add3A_136 : i32
    %mul3A_138 = arith.constant 64 : i32
    %mul3A_139 = arith.muli %arg0, %mul3A_138 : i32
    %dma_wait3A = arith.constant 0 : i32
    %dma_wait3A_140 = arith.constant 0 : i32
    %dma_wait3A_141 = arith.constant 0 : i32
    %dma_wait3A_142 = arith.constant 0 : i32
    %dma_wait3A_143 = tpu.memref_slice %arg8[%dma_wait3A, %dma_wait3A_141, %dma_wait3A_142] : memref<2x512x64xf32, #tpu.memory_space<vmem>> -> memref<1x512x64xf32, #tpu.memory_space<vmem>>
    %dma_wait3A_144 = tpu.memref_squeeze %dma_wait3A_143 : memref<1x512x64xf32, #tpu.memory_space<vmem>> -> memref<512x64xf32, #tpu.memory_space<vmem>>
    %dma_wait3A_145 = tpu.memref_slice %arg2[%add3A_137, %mul3A_139] : memref<32768x128xf32, #tpu.memory_space<hbm>> -> memref<512x64xf32, #tpu.memory_space<hbm>>
    %dma_wait3A_146 = tpu.memref_slice %arg16[%dma_wait3A_140] : memref<2x!tpu.dma_semaphore, #tpu.memory_space<semaphore_mem>> -> memref<1x!tpu.dma_semaphore, #tpu.memory_space<semaphore_mem>>
    %dma_wait3A_147 = tpu.memref_squeeze %dma_wait3A_146 : memref<1x!tpu.dma_semaphore, #tpu.memory_space<semaphore_mem>> -> memref<!tpu.dma_semaphore, #tpu.memory_space<semaphore_mem>>
    %dma_wait3A_148 = arith.constant 0 : i32
    %dma_wait3A_149 = arith.constant 0 : i32
    %dma_wait3A_150 = tpu.memref_slice %arg8[%dma_wait3A, %dma_wait3A_148, %dma_wait3A_149] : memref<2x512x64xf32, #tpu.memory_space<vmem>> -> memref<1x512x64xf32, #tpu.memory_space<vmem>>
    %dma_wait3A_151 = tpu.memref_squeeze %dma_wait3A_150 : memref<1x512x64xf32, #tpu.memory_space<vmem>> -> memref<512x64xf32, #tpu.memory_space<vmem>>
    %dma_wait3A_152 = tpu.memref_slice %arg2[%add3A_137, %mul3A_139] : memref<32768x128xf32, #tpu.memory_space<hbm>> -> memref<512x64xf32, #tpu.memory_space<hbm>>
    tpu.wait_dma2 semaphore(%dma_wait3A_147 : memref<!tpu.dma_semaphore, #tpu.memory_space<semaphore_mem>>) src(%dma_wait3A_152 : memref<512x64xf32, #tpu.memory_space<hbm>>) dst(%dma_wait3A_151 : memref<512x64xf32, #tpu.memory_space<vmem>>)
    %run_scoped3A = arith.constant 0 : i32
    %run_scoped3A_153 = arith.constant 0 : i32
    "tpu.region"() ({
      %run_scoped3A_455 = tpu.sem_alloc : memref<!tpu.dma_semaphore, #tpu.memory_space<semaphore_mem>>
      %dma_start3A_456 = arith.constant 0 : i32
      %dma_start3A_457 = arith.constant 0 : i32
      %dma_start3A_458 = tpu.memref_slice %arg8[%run_scoped3A, %dma_start3A_456, %dma_start3A_457] : memref<2x512x64xf32, #tpu.memory_space<vmem>> -> memref<1x128x64xf32, #tpu.memory_space<vmem>>
      %dma_start3A_459 = tpu.memref_squeeze %dma_start3A_458 : memref<1x128x64xf32, #tpu.memory_space<vmem>> -> memref<128x64xf32, #tpu.memory_space<vmem>>
      %dma_start3A_460 = arith.constant 0 : i32
      %dma_start3A_461 = tpu.memref_slice %arg7[%run_scoped3A_153, %dma_start3A_460] : memref<16x128xi32, #tpu.memory_space<vmem>> -> memref<1x128xi32, #tpu.memory_space<vmem>>
      %dma_start3A_462 = tpu.memref_squeeze %dma_start3A_461 : memref<1x128xi32, #tpu.memory_space<vmem>> -> memref<128xi32, #tpu.memory_space<vmem>>
      %dma_start3A_463 = arith.constant 0 : i32
      %dma_start3A_464 = arith.constant 0 : i32
      %dma_start3A_465 = tpu.memref_slice %arg5[%dma_start3A_463, %dma_start3A_464] : memref<4096x64xf32, #tpu.memory_space<vmem_shared>> -> memref<4096x64xf32, #tpu.memory_space<vmem_shared>>
      tpu.enqueue_indirect_dma source(%dma_start3A_459 : memref<128x64xf32, #tpu.memory_space<vmem>>) target(%dma_start3A_465 : memref<4096x64xf32, #tpu.memory_space<vmem_shared>>) offsets(%dma_start3A_462 : memref<128xi32, #tpu.memory_space<vmem>>) semaphore(%run_scoped3A_455 : memref<!tpu.dma_semaphore, #tpu.memory_space<semaphore_mem>>) {add = true}
      %dma_wait3A_466 = arith.constant 0 : i32
      %dma_wait3A_467 = arith.constant 0 : i32
      %dma_wait3A_468 = tpu.memref_slice %arg8[%run_scoped3A, %dma_wait3A_466, %dma_wait3A_467] : memref<2x512x64xf32, #tpu.memory_space<vmem>> -> memref<1x128x64xf32, #tpu.memory_space<vmem>>
      %dma_wait3A_469 = tpu.memref_squeeze %dma_wait3A_468 : memref<1x128x64xf32, #tpu.memory_space<vmem>> -> memref<128x64xf32, #tpu.memory_space<vmem>>
      %dma_wait3A_470 = arith.constant 0 : i32
      %dma_wait3A_471 = tpu.memref_slice %arg7[%run_scoped3A_153, %dma_wait3A_470] : memref<16x128xi32, #tpu.memory_space<vmem>> -> memref<1x128xi32, #tpu.memory_space<vmem>>
      %dma_wait3A_472 = tpu.memref_squeeze %dma_wait3A_471 : memref<1x128xi32, #tpu.memory_space<vmem>> -> memref<128xi32, #tpu.memory_space<vmem>>
      %dma_wait3A_473 = arith.constant 0 : i32
      %dma_wait3A_474 = arith.constant 0 : i32
      %dma_wait3A_475 = tpu.memref_slice %arg5[%dma_wait3A_473, %dma_wait3A_474] : memref<4096x64xf32, #tpu.memory_space<vmem_shared>> -> memref<4096x64xf32, #tpu.memory_space<vmem_shared>>
      tpu.wait_indirect_dma semaphore(%run_scoped3A_455 : memref<!tpu.dma_semaphore, #tpu.memory_space<semaphore_mem>>) src(%dma_wait3A_469 : memref<128x64xf32, #tpu.memory_space<vmem>>) dst(%dma_wait3A_475 : memref<4096x64xf32, #tpu.memory_space<vmem_shared>>)
      tpu.yield
    }) : () -> ()
    %run_scoped3A_154 = arith.constant 0 : i32
    %run_scoped3A_155 = arith.constant 1 : i32
    "tpu.region"() ({
      %run_scoped3A_455 = tpu.sem_alloc : memref<!tpu.dma_semaphore, #tpu.memory_space<semaphore_mem>>
      %dma_start3A_456 = arith.constant 128 : i32
      %dma_start3A_457 = arith.constant 0 : i32
      %dma_start3A_458 = tpu.memref_slice %arg8[%run_scoped3A_154, %dma_start3A_456, %dma_start3A_457] : memref<2x512x64xf32, #tpu.memory_space<vmem>> -> memref<1x128x64xf32, #tpu.memory_space<vmem>>
      %dma_start3A_459 = tpu.memref_squeeze %dma_start3A_458 : memref<1x128x64xf32, #tpu.memory_space<vmem>> -> memref<128x64xf32, #tpu.memory_space<vmem>>
      %dma_start3A_460 = arith.constant 0 : i32
      %dma_start3A_461 = tpu.memref_slice %arg7[%run_scoped3A_155, %dma_start3A_460] : memref<16x128xi32, #tpu.memory_space<vmem>> -> memref<1x128xi32, #tpu.memory_space<vmem>>
      %dma_start3A_462 = tpu.memref_squeeze %dma_start3A_461 : memref<1x128xi32, #tpu.memory_space<vmem>> -> memref<128xi32, #tpu.memory_space<vmem>>
      %dma_start3A_463 = arith.constant 0 : i32
      %dma_start3A_464 = arith.constant 0 : i32
      %dma_start3A_465 = tpu.memref_slice %arg5[%dma_start3A_463, %dma_start3A_464] : memref<4096x64xf32, #tpu.memory_space<vmem_shared>> -> memref<4096x64xf32, #tpu.memory_space<vmem_shared>>
      tpu.enqueue_indirect_dma source(%dma_start3A_459 : memref<128x64xf32, #tpu.memory_space<vmem>>) target(%dma_start3A_465 : memref<4096x64xf32, #tpu.memory_space<vmem_shared>>) offsets(%dma_start3A_462 : memref<128xi32, #tpu.memory_space<vmem>>) semaphore(%run_scoped3A_455 : memref<!tpu.dma_semaphore, #tpu.memory_space<semaphore_mem>>) {add = true}
      %dma_wait3A_466 = arith.constant 128 : i32
      %dma_wait3A_467 = arith.constant 0 : i32
      %dma_wait3A_468 = tpu.memref_slice %arg8[%run_scoped3A_154, %dma_wait3A_466, %dma_wait3A_467] : memref<2x512x64xf32, #tpu.memory_space<vmem>> -> memref<1x128x64xf32, #tpu.memory_space<vmem>>
      %dma_wait3A_469 = tpu.memref_squeeze %dma_wait3A_468 : memref<1x128x64xf32, #tpu.memory_space<vmem>> -> memref<128x64xf32, #tpu.memory_space<vmem>>
      %dma_wait3A_470 = arith.constant 0 : i32
      %dma_wait3A_471 = tpu.memref_slice %arg7[%run_scoped3A_155, %dma_wait3A_470] : memref<16x128xi32, #tpu.memory_space<vmem>> -> memref<1x128xi32, #tpu.memory_space<vmem>>
      %dma_wait3A_472 = tpu.memref_squeeze %dma_wait3A_471 : memref<1x128xi32, #tpu.memory_space<vmem>> -> memref<128xi32, #tpu.memory_space<vmem>>
      %dma_wait3A_473 = arith.constant 0 : i32
      %dma_wait3A_474 = arith.constant 0 : i32
      %dma_wait3A_475 = tpu.memref_slice %arg5[%dma_wait3A_473, %dma_wait3A_474] : memref<4096x64xf32, #tpu.memory_space<vmem_shared>> -> memref<4096x64xf32, #tpu.memory_space<vmem_shared>>
      tpu.wait_indirect_dma semaphore(%run_scoped3A_455 : memref<!tpu.dma_semaphore, #tpu.memory_space<semaphore_mem>>) src(%dma_wait3A_469 : memref<128x64xf32, #tpu.memory_space<vmem>>) dst(%dma_wait3A_475 : memref<4096x64xf32, #tpu.memory_space<vmem_shared>>)
      tpu.yield
    }) : () -> ()
    %run_scoped3A_156 = arith.constant 0 : i32
    %run_scoped3A_157 = arith.constant 2 : i32
    "tpu.region"() ({
      %run_scoped3A_455 = tpu.sem_alloc : memref<!tpu.dma_semaphore, #tpu.memory_space<semaphore_mem>>
      %dma_start3A_456 = arith.constant 256 : i32
      %dma_start3A_457 = arith.constant 0 : i32
      %dma_start3A_458 = tpu.memref_slice %arg8[%run_scoped3A_156, %dma_start3A_456, %dma_start3A_457] : memref<2x512x64xf32, #tpu.memory_space<vmem>> -> memref<1x128x64xf32, #tpu.memory_space<vmem>>
      %dma_start3A_459 = tpu.memref_squeeze %dma_start3A_458 : memref<1x128x64xf32, #tpu.memory_space<vmem>> -> memref<128x64xf32, #tpu.memory_space<vmem>>
      %dma_start3A_460 = arith.constant 0 : i32
      %dma_start3A_461 = tpu.memref_slice %arg7[%run_scoped3A_157, %dma_start3A_460] : memref<16x128xi32, #tpu.memory_space<vmem>> -> memref<1x128xi32, #tpu.memory_space<vmem>>
      %dma_start3A_462 = tpu.memref_squeeze %dma_start3A_461 : memref<1x128xi32, #tpu.memory_space<vmem>> -> memref<128xi32, #tpu.memory_space<vmem>>
      %dma_start3A_463 = arith.constant 0 : i32
      %dma_start3A_464 = arith.constant 0 : i32
      %dma_start3A_465 = tpu.memref_slice %arg5[%dma_start3A_463, %dma_start3A_464] : memref<4096x64xf32, #tpu.memory_space<vmem_shared>> -> memref<4096x64xf32, #tpu.memory_space<vmem_shared>>
      tpu.enqueue_indirect_dma source(%dma_start3A_459 : memref<128x64xf32, #tpu.memory_space<vmem>>) target(%dma_start3A_465 : memref<4096x64xf32, #tpu.memory_space<vmem_shared>>) offsets(%dma_start3A_462 : memref<128xi32, #tpu.memory_space<vmem>>) semaphore(%run_scoped3A_455 : memref<!tpu.dma_semaphore, #tpu.memory_space<semaphore_mem>>) {add = true}
      %dma_wait3A_466 = arith.constant 256 : i32
      %dma_wait3A_467 = arith.constant 0 : i32
      %dma_wait3A_468 = tpu.memref_slice %arg8[%run_scoped3A_156, %dma_wait3A_466, %dma_wait3A_467] : memref<2x512x64xf32, #tpu.memory_space<vmem>> -> memref<1x128x64xf32, #tpu.memory_space<vmem>>
      %dma_wait3A_469 = tpu.memref_squeeze %dma_wait3A_468 : memref<1x128x64xf32, #tpu.memory_space<vmem>> -> memref<128x64xf32, #tpu.memory_space<vmem>>
      %dma_wait3A_470 = arith.constant 0 : i32
      %dma_wait3A_471 = tpu.memref_slice %arg7[%run_scoped3A_157, %dma_wait3A_470] : memref<16x128xi32, #tpu.memory_space<vmem>> -> memref<1x128xi32, #tpu.memory_space<vmem>>
      %dma_wait3A_472 = tpu.memref_squeeze %dma_wait3A_471 : memref<1x128xi32, #tpu.memory_space<vmem>> -> memref<128xi32, #tpu.memory_space<vmem>>
      %dma_wait3A_473 = arith.constant 0 : i32
      %dma_wait3A_474 = arith.constant 0 : i32
      %dma_wait3A_475 = tpu.memref_slice %arg5[%dma_wait3A_473, %dma_wait3A_474] : memref<4096x64xf32, #tpu.memory_space<vmem_shared>> -> memref<4096x64xf32, #tpu.memory_space<vmem_shared>>
      tpu.wait_indirect_dma semaphore(%run_scoped3A_455 : memref<!tpu.dma_semaphore, #tpu.memory_space<semaphore_mem>>) src(%dma_wait3A_469 : memref<128x64xf32, #tpu.memory_space<vmem>>) dst(%dma_wait3A_475 : memref<4096x64xf32, #tpu.memory_space<vmem_shared>>)
      tpu.yield
    }) : () -> ()
    %run_scoped3A_158 = arith.constant 0 : i32
    %run_scoped3A_159 = arith.constant 3 : i32
    "tpu.region"() ({
      %run_scoped3A_455 = tpu.sem_alloc : memref<!tpu.dma_semaphore, #tpu.memory_space<semaphore_mem>>
      %dma_start3A_456 = arith.constant 384 : i32
      %dma_start3A_457 = arith.constant 0 : i32
      %dma_start3A_458 = tpu.memref_slice %arg8[%run_scoped3A_158, %dma_start3A_456, %dma_start3A_457] : memref<2x512x64xf32, #tpu.memory_space<vmem>> -> memref<1x128x64xf32, #tpu.memory_space<vmem>>
      %dma_start3A_459 = tpu.memref_squeeze %dma_start3A_458 : memref<1x128x64xf32, #tpu.memory_space<vmem>> -> memref<128x64xf32, #tpu.memory_space<vmem>>
      %dma_start3A_460 = arith.constant 0 : i32
      %dma_start3A_461 = tpu.memref_slice %arg7[%run_scoped3A_159, %dma_start3A_460] : memref<16x128xi32, #tpu.memory_space<vmem>> -> memref<1x128xi32, #tpu.memory_space<vmem>>
      %dma_start3A_462 = tpu.memref_squeeze %dma_start3A_461 : memref<1x128xi32, #tpu.memory_space<vmem>> -> memref<128xi32, #tpu.memory_space<vmem>>
      %dma_start3A_463 = arith.constant 0 : i32
      %dma_start3A_464 = arith.constant 0 : i32
      %dma_start3A_465 = tpu.memref_slice %arg5[%dma_start3A_463, %dma_start3A_464] : memref<4096x64xf32, #tpu.memory_space<vmem_shared>> -> memref<4096x64xf32, #tpu.memory_space<vmem_shared>>
      tpu.enqueue_indirect_dma source(%dma_start3A_459 : memref<128x64xf32, #tpu.memory_space<vmem>>) target(%dma_start3A_465 : memref<4096x64xf32, #tpu.memory_space<vmem_shared>>) offsets(%dma_start3A_462 : memref<128xi32, #tpu.memory_space<vmem>>) semaphore(%run_scoped3A_455 : memref<!tpu.dma_semaphore, #tpu.memory_space<semaphore_mem>>) {add = true}
      %dma_wait3A_466 = arith.constant 384 : i32
      %dma_wait3A_467 = arith.constant 0 : i32
      %dma_wait3A_468 = tpu.memref_slice %arg8[%run_scoped3A_158, %dma_wait3A_466, %dma_wait3A_467] : memref<2x512x64xf32, #tpu.memory_space<vmem>> -> memref<1x128x64xf32, #tpu.memory_space<vmem>>
      %dma_wait3A_469 = tpu.memref_squeeze %dma_wait3A_468 : memref<1x128x64xf32, #tpu.memory_space<vmem>> -> memref<128x64xf32, #tpu.memory_space<vmem>>
      %dma_wait3A_470 = arith.constant 0 : i32
      %dma_wait3A_471 = tpu.memref_slice %arg7[%run_scoped3A_159, %dma_wait3A_470] : memref<16x128xi32, #tpu.memory_space<vmem>> -> memref<1x128xi32, #tpu.memory_space<vmem>>
      %dma_wait3A_472 = tpu.memref_squeeze %dma_wait3A_471 : memref<1x128xi32, #tpu.memory_space<vmem>> -> memref<128xi32, #tpu.memory_space<vmem>>
      %dma_wait3A_473 = arith.constant 0 : i32
      %dma_wait3A_474 = arith.constant 0 : i32
      %dma_wait3A_475 = tpu.memref_slice %arg5[%dma_wait3A_473, %dma_wait3A_474] : memref<4096x64xf32, #tpu.memory_space<vmem_shared>> -> memref<4096x64xf32, #tpu.memory_space<vmem_shared>>
      tpu.wait_indirect_dma semaphore(%run_scoped3A_455 : memref<!tpu.dma_semaphore, #tpu.memory_space<semaphore_mem>>) src(%dma_wait3A_469 : memref<128x64xf32, #tpu.memory_space<vmem>>) dst(%dma_wait3A_475 : memref<4096x64xf32, #tpu.memory_space<vmem_shared>>)
      tpu.yield
    }) : () -> ()
    %mul3A_160 = arith.constant 2048 : i32
    %mul3A_161 = arith.muli %arg1, %mul3A_160 : i32
    %add3A_162 = arith.constant 1024 : i32
    %add3A_163 = arith.addi %mul3A_161, %add3A_162 : i32
    %mul3A_164 = arith.constant 64 : i32
    %mul3A_165 = arith.muli %arg0, %mul3A_164 : i32
    %dma_start3A_166 = arith.constant 0 : i32
    %dma_start3A_167 = arith.constant 0 : i32
    %dma_start3A_168 = arith.constant 0 : i32
    %dma_start3A_169 = arith.constant 0 : i32
    %dma_start3A_170 = tpu.memref_slice %arg8[%dma_start3A_166, %dma_start3A_168, %dma_start3A_169] : memref<2x512x64xf32, #tpu.memory_space<vmem>> -> memref<1x512x64xf32, #tpu.memory_space<vmem>>
    %dma_start3A_171 = tpu.memref_squeeze %dma_start3A_170 : memref<1x512x64xf32, #tpu.memory_space<vmem>> -> memref<512x64xf32, #tpu.memory_space<vmem>>
    %dma_start3A_172 = tpu.memref_slice %arg2[%add3A_163, %mul3A_165] : memref<32768x128xf32, #tpu.memory_space<hbm>> -> memref<512x64xf32, #tpu.memory_space<hbm>>
    %dma_start3A_173 = tpu.memref_slice %arg16[%dma_start3A_167] : memref<2x!tpu.dma_semaphore, #tpu.memory_space<semaphore_mem>> -> memref<1x!tpu.dma_semaphore, #tpu.memory_space<semaphore_mem>>
    %dma_start3A_174 = tpu.memref_squeeze %dma_start3A_173 : memref<1x!tpu.dma_semaphore, #tpu.memory_space<semaphore_mem>> -> memref<!tpu.dma_semaphore, #tpu.memory_space<semaphore_mem>>
    %dma_start3A_175 = arith.constant 0 : i32
    %dma_start3A_176 = arith.constant 0 : i32
    %dma_start3A_177 = tpu.memref_slice %arg8[%dma_start3A_166, %dma_start3A_175, %dma_start3A_176] : memref<2x512x64xf32, #tpu.memory_space<vmem>> -> memref<1x512x64xf32, #tpu.memory_space<vmem>>
    %dma_start3A_178 = tpu.memref_squeeze %dma_start3A_177 : memref<1x512x64xf32, #tpu.memory_space<vmem>> -> memref<512x64xf32, #tpu.memory_space<vmem>>
    %dma_start3A_179 = tpu.memref_slice %arg2[%add3A_163, %mul3A_165] : memref<32768x128xf32, #tpu.memory_space<hbm>> -> memref<512x64xf32, #tpu.memory_space<hbm>>
    tpu.enqueue_dma source(%dma_start3A_179 : memref<512x64xf32, #tpu.memory_space<hbm>>) target(%dma_start3A_178 : memref<512x64xf32, #tpu.memory_space<vmem>>) target_semaphore(%dma_start3A_174 : memref<!tpu.dma_semaphore, #tpu.memory_space<semaphore_mem>>)
    %mul3A_180 = arith.constant 2048 : i32
    %mul3A_181 = arith.muli %arg1, %mul3A_180 : i32
    %add3A_182 = arith.constant 512 : i32
    %add3A_183 = arith.addi %mul3A_181, %add3A_182 : i32
    %mul3A_184 = arith.constant 64 : i32
    %mul3A_185 = arith.muli %arg0, %mul3A_184 : i32
    %dma_wait3A_186 = arith.constant 1 : i32
    %dma_wait3A_187 = arith.constant 1 : i32
    %dma_wait3A_188 = arith.constant 0 : i32
    %dma_wait3A_189 = arith.constant 0 : i32
    %dma_wait3A_190 = tpu.memref_slice %arg8[%dma_wait3A_186, %dma_wait3A_188, %dma_wait3A_189] : memref<2x512x64xf32, #tpu.memory_space<vmem>> -> memref<1x512x64xf32, #tpu.memory_space<vmem>>
    %dma_wait3A_191 = tpu.memref_squeeze %dma_wait3A_190 : memref<1x512x64xf32, #tpu.memory_space<vmem>> -> memref<512x64xf32, #tpu.memory_space<vmem>>
    %dma_wait3A_192 = tpu.memref_slice %arg2[%add3A_183, %mul3A_185] : memref<32768x128xf32, #tpu.memory_space<hbm>> -> memref<512x64xf32, #tpu.memory_space<hbm>>
    %dma_wait3A_193 = tpu.memref_slice %arg16[%dma_wait3A_187] : memref<2x!tpu.dma_semaphore, #tpu.memory_space<semaphore_mem>> -> memref<1x!tpu.dma_semaphore, #tpu.memory_space<semaphore_mem>>
    %dma_wait3A_194 = tpu.memref_squeeze %dma_wait3A_193 : memref<1x!tpu.dma_semaphore, #tpu.memory_space<semaphore_mem>> -> memref<!tpu.dma_semaphore, #tpu.memory_space<semaphore_mem>>
    %dma_wait3A_195 = arith.constant 0 : i32
    %dma_wait3A_196 = arith.constant 0 : i32
    %dma_wait3A_197 = tpu.memref_slice %arg8[%dma_wait3A_186, %dma_wait3A_195, %dma_wait3A_196] : memref<2x512x64xf32, #tpu.memory_space<vmem>> -> memref<1x512x64xf32, #tpu.memory_space<vmem>>
    %dma_wait3A_198 = tpu.memref_squeeze %dma_wait3A_197 : memref<1x512x64xf32, #tpu.memory_space<vmem>> -> memref<512x64xf32, #tpu.memory_space<vmem>>
    %dma_wait3A_199 = tpu.memref_slice %arg2[%add3A_183, %mul3A_185] : memref<32768x128xf32, #tpu.memory_space<hbm>> -> memref<512x64xf32, #tpu.memory_space<hbm>>
    tpu.wait_dma2 semaphore(%dma_wait3A_194 : memref<!tpu.dma_semaphore, #tpu.memory_space<semaphore_mem>>) src(%dma_wait3A_199 : memref<512x64xf32, #tpu.memory_space<hbm>>) dst(%dma_wait3A_198 : memref<512x64xf32, #tpu.memory_space<vmem>>)
    %run_scoped3A_200 = arith.constant 1 : i32
    %run_scoped3A_201 = arith.constant 4 : i32
    "tpu.region"() ({
      %run_scoped3A_455 = tpu.sem_alloc : memref<!tpu.dma_semaphore, #tpu.memory_space<semaphore_mem>>
      %dma_start3A_456 = arith.constant 0 : i32
      %dma_start3A_457 = arith.constant 0 : i32
      %dma_start3A_458 = tpu.memref_slice %arg8[%run_scoped3A_200, %dma_start3A_456, %dma_start3A_457] : memref<2x512x64xf32, #tpu.memory_space<vmem>> -> memref<1x128x64xf32, #tpu.memory_space<vmem>>
      %dma_start3A_459 = tpu.memref_squeeze %dma_start3A_458 : memref<1x128x64xf32, #tpu.memory_space<vmem>> -> memref<128x64xf32, #tpu.memory_space<vmem>>
      %dma_start3A_460 = arith.constant 0 : i32
      %dma_start3A_461 = tpu.memref_slice %arg7[%run_scoped3A_201, %dma_start3A_460] : memref<16x128xi32, #tpu.memory_space<vmem>> -> memref<1x128xi32, #tpu.memory_space<vmem>>
      %dma_start3A_462 = tpu.memref_squeeze %dma_start3A_461 : memref<1x128xi32, #tpu.memory_space<vmem>> -> memref<128xi32, #tpu.memory_space<vmem>>
      %dma_start3A_463 = arith.constant 0 : i32
      %dma_start3A_464 = arith.constant 0 : i32
      %dma_start3A_465 = tpu.memref_slice %arg5[%dma_start3A_463, %dma_start3A_464] : memref<4096x64xf32, #tpu.memory_space<vmem_shared>> -> memref<4096x64xf32, #tpu.memory_space<vmem_shared>>
      tpu.enqueue_indirect_dma source(%dma_start3A_459 : memref<128x64xf32, #tpu.memory_space<vmem>>) target(%dma_start3A_465 : memref<4096x64xf32, #tpu.memory_space<vmem_shared>>) offsets(%dma_start3A_462 : memref<128xi32, #tpu.memory_space<vmem>>) semaphore(%run_scoped3A_455 : memref<!tpu.dma_semaphore, #tpu.memory_space<semaphore_mem>>) {add = true}
      %dma_wait3A_466 = arith.constant 0 : i32
      %dma_wait3A_467 = arith.constant 0 : i32
      %dma_wait3A_468 = tpu.memref_slice %arg8[%run_scoped3A_200, %dma_wait3A_466, %dma_wait3A_467] : memref<2x512x64xf32, #tpu.memory_space<vmem>> -> memref<1x128x64xf32, #tpu.memory_space<vmem>>
      %dma_wait3A_469 = tpu.memref_squeeze %dma_wait3A_468 : memref<1x128x64xf32, #tpu.memory_space<vmem>> -> memref<128x64xf32, #tpu.memory_space<vmem>>
      %dma_wait3A_470 = arith.constant 0 : i32
      %dma_wait3A_471 = tpu.memref_slice %arg7[%run_scoped3A_201, %dma_wait3A_470] : memref<16x128xi32, #tpu.memory_space<vmem>> -> memref<1x128xi32, #tpu.memory_space<vmem>>
      %dma_wait3A_472 = tpu.memref_squeeze %dma_wait3A_471 : memref<1x128xi32, #tpu.memory_space<vmem>> -> memref<128xi32, #tpu.memory_space<vmem>>
      %dma_wait3A_473 = arith.constant 0 : i32
      %dma_wait3A_474 = arith.constant 0 : i32
      %dma_wait3A_475 = tpu.memref_slice %arg5[%dma_wait3A_473, %dma_wait3A_474] : memref<4096x64xf32, #tpu.memory_space<vmem_shared>> -> memref<4096x64xf32, #tpu.memory_space<vmem_shared>>
      tpu.wait_indirect_dma semaphore(%run_scoped3A_455 : memref<!tpu.dma_semaphore, #tpu.memory_space<semaphore_mem>>) src(%dma_wait3A_469 : memref<128x64xf32, #tpu.memory_space<vmem>>) dst(%dma_wait3A_475 : memref<4096x64xf32, #tpu.memory_space<vmem_shared>>)
      tpu.yield
    }) : () -> ()
    %run_scoped3A_202 = arith.constant 1 : i32
    %run_scoped3A_203 = arith.constant 5 : i32
    "tpu.region"() ({
      %run_scoped3A_455 = tpu.sem_alloc : memref<!tpu.dma_semaphore, #tpu.memory_space<semaphore_mem>>
      %dma_start3A_456 = arith.constant 128 : i32
      %dma_start3A_457 = arith.constant 0 : i32
      %dma_start3A_458 = tpu.memref_slice %arg8[%run_scoped3A_202, %dma_start3A_456, %dma_start3A_457] : memref<2x512x64xf32, #tpu.memory_space<vmem>> -> memref<1x128x64xf32, #tpu.memory_space<vmem>>
      %dma_start3A_459 = tpu.memref_squeeze %dma_start3A_458 : memref<1x128x64xf32, #tpu.memory_space<vmem>> -> memref<128x64xf32, #tpu.memory_space<vmem>>
      %dma_start3A_460 = arith.constant 0 : i32
      %dma_start3A_461 = tpu.memref_slice %arg7[%run_scoped3A_203, %dma_start3A_460] : memref<16x128xi32, #tpu.memory_space<vmem>> -> memref<1x128xi32, #tpu.memory_space<vmem>>
      %dma_start3A_462 = tpu.memref_squeeze %dma_start3A_461 : memref<1x128xi32, #tpu.memory_space<vmem>> -> memref<128xi32, #tpu.memory_space<vmem>>
      %dma_start3A_463 = arith.constant 0 : i32
      %dma_start3A_464 = arith.constant 0 : i32
      %dma_start3A_465 = tpu.memref_slice %arg5[%dma_start3A_463, %dma_start3A_464] : memref<4096x64xf32, #tpu.memory_space<vmem_shared>> -> memref<4096x64xf32, #tpu.memory_space<vmem_shared>>
      tpu.enqueue_indirect_dma source(%dma_start3A_459 : memref<128x64xf32, #tpu.memory_space<vmem>>) target(%dma_start3A_465 : memref<4096x64xf32, #tpu.memory_space<vmem_shared>>) offsets(%dma_start3A_462 : memref<128xi32, #tpu.memory_space<vmem>>) semaphore(%run_scoped3A_455 : memref<!tpu.dma_semaphore, #tpu.memory_space<semaphore_mem>>) {add = true}
      %dma_wait3A_466 = arith.constant 128 : i32
      %dma_wait3A_467 = arith.constant 0 : i32
      %dma_wait3A_468 = tpu.memref_slice %arg8[%run_scoped3A_202, %dma_wait3A_466, %dma_wait3A_467] : memref<2x512x64xf32, #tpu.memory_space<vmem>> -> memref<1x128x64xf32, #tpu.memory_space<vmem>>
      %dma_wait3A_469 = tpu.memref_squeeze %dma_wait3A_468 : memref<1x128x64xf32, #tpu.memory_space<vmem>> -> memref<128x64xf32, #tpu.memory_space<vmem>>
      %dma_wait3A_470 = arith.constant 0 : i32
      %dma_wait3A_471 = tpu.memref_slice %arg7[%run_scoped3A_203, %dma_wait3A_470] : memref<16x128xi32, #tpu.memory_space<vmem>> -> memref<1x128xi32, #tpu.memory_space<vmem>>
      %dma_wait3A_472 = tpu.memref_squeeze %dma_wait3A_471 : memref<1x128xi32, #tpu.memory_space<vmem>> -> memref<128xi32, #tpu.memory_space<vmem>>
      %dma_wait3A_473 = arith.constant 0 : i32
      %dma_wait3A_474 = arith.constant 0 : i32
      %dma_wait3A_475 = tpu.memref_slice %arg5[%dma_wait3A_473, %dma_wait3A_474] : memref<4096x64xf32, #tpu.memory_space<vmem_shared>> -> memref<4096x64xf32, #tpu.memory_space<vmem_shared>>
      tpu.wait_indirect_dma semaphore(%run_scoped3A_455 : memref<!tpu.dma_semaphore, #tpu.memory_space<semaphore_mem>>) src(%dma_wait3A_469 : memref<128x64xf32, #tpu.memory_space<vmem>>) dst(%dma_wait3A_475 : memref<4096x64xf32, #tpu.memory_space<vmem_shared>>)
      tpu.yield
    }) : () -> ()
    %run_scoped3A_204 = arith.constant 1 : i32
    %run_scoped3A_205 = arith.constant 6 : i32
    "tpu.region"() ({
      %run_scoped3A_455 = tpu.sem_alloc : memref<!tpu.dma_semaphore, #tpu.memory_space<semaphore_mem>>
      %dma_start3A_456 = arith.constant 256 : i32
      %dma_start3A_457 = arith.constant 0 : i32
      %dma_start3A_458 = tpu.memref_slice %arg8[%run_scoped3A_204, %dma_start3A_456, %dma_start3A_457] : memref<2x512x64xf32, #tpu.memory_space<vmem>> -> memref<1x128x64xf32, #tpu.memory_space<vmem>>
      %dma_start3A_459 = tpu.memref_squeeze %dma_start3A_458 : memref<1x128x64xf32, #tpu.memory_space<vmem>> -> memref<128x64xf32, #tpu.memory_space<vmem>>
      %dma_start3A_460 = arith.constant 0 : i32
      %dma_start3A_461 = tpu.memref_slice %arg7[%run_scoped3A_205, %dma_start3A_460] : memref<16x128xi32, #tpu.memory_space<vmem>> -> memref<1x128xi32, #tpu.memory_space<vmem>>
      %dma_start3A_462 = tpu.memref_squeeze %dma_start3A_461 : memref<1x128xi32, #tpu.memory_space<vmem>> -> memref<128xi32, #tpu.memory_space<vmem>>
      %dma_start3A_463 = arith.constant 0 : i32
      %dma_start3A_464 = arith.constant 0 : i32
      %dma_start3A_465 = tpu.memref_slice %arg5[%dma_start3A_463, %dma_start3A_464] : memref<4096x64xf32, #tpu.memory_space<vmem_shared>> -> memref<4096x64xf32, #tpu.memory_space<vmem_shared>>
      tpu.enqueue_indirect_dma source(%dma_start3A_459 : memref<128x64xf32, #tpu.memory_space<vmem>>) target(%dma_start3A_465 : memref<4096x64xf32, #tpu.memory_space<vmem_shared>>) offsets(%dma_start3A_462 : memref<128xi32, #tpu.memory_space<vmem>>) semaphore(%run_scoped3A_455 : memref<!tpu.dma_semaphore, #tpu.memory_space<semaphore_mem>>) {add = true}
      %dma_wait3A_466 = arith.constant 256 : i32
      %dma_wait3A_467 = arith.constant 0 : i32
      %dma_wait3A_468 = tpu.memref_slice %arg8[%run_scoped3A_204, %dma_wait3A_466, %dma_wait3A_467] : memref<2x512x64xf32, #tpu.memory_space<vmem>> -> memref<1x128x64xf32, #tpu.memory_space<vmem>>
      %dma_wait3A_469 = tpu.memref_squeeze %dma_wait3A_468 : memref<1x128x64xf32, #tpu.memory_space<vmem>> -> memref<128x64xf32, #tpu.memory_space<vmem>>
      %dma_wait3A_470 = arith.constant 0 : i32
      %dma_wait3A_471 = tpu.memref_slice %arg7[%run_scoped3A_205, %dma_wait3A_470] : memref<16x128xi32, #tpu.memory_space<vmem>> -> memref<1x128xi32, #tpu.memory_space<vmem>>
      %dma_wait3A_472 = tpu.memref_squeeze %dma_wait3A_471 : memref<1x128xi32, #tpu.memory_space<vmem>> -> memref<128xi32, #tpu.memory_space<vmem>>
      %dma_wait3A_473 = arith.constant 0 : i32
      %dma_wait3A_474 = arith.constant 0 : i32
      %dma_wait3A_475 = tpu.memref_slice %arg5[%dma_wait3A_473, %dma_wait3A_474] : memref<4096x64xf32, #tpu.memory_space<vmem_shared>> -> memref<4096x64xf32, #tpu.memory_space<vmem_shared>>
      tpu.wait_indirect_dma semaphore(%run_scoped3A_455 : memref<!tpu.dma_semaphore, #tpu.memory_space<semaphore_mem>>) src(%dma_wait3A_469 : memref<128x64xf32, #tpu.memory_space<vmem>>) dst(%dma_wait3A_475 : memref<4096x64xf32, #tpu.memory_space<vmem_shared>>)
      tpu.yield
    }) : () -> ()
    %run_scoped3A_206 = arith.constant 1 : i32
    %run_scoped3A_207 = arith.constant 7 : i32
    "tpu.region"() ({
      %run_scoped3A_455 = tpu.sem_alloc : memref<!tpu.dma_semaphore, #tpu.memory_space<semaphore_mem>>
      %dma_start3A_456 = arith.constant 384 : i32
      %dma_start3A_457 = arith.constant 0 : i32
      %dma_start3A_458 = tpu.memref_slice %arg8[%run_scoped3A_206, %dma_start3A_456, %dma_start3A_457] : memref<2x512x64xf32, #tpu.memory_space<vmem>> -> memref<1x128x64xf32, #tpu.memory_space<vmem>>
      %dma_start3A_459 = tpu.memref_squeeze %dma_start3A_458 : memref<1x128x64xf32, #tpu.memory_space<vmem>> -> memref<128x64xf32, #tpu.memory_space<vmem>>
      %dma_start3A_460 = arith.constant 0 : i32
      %dma_start3A_461 = tpu.memref_slice %arg7[%run_scoped3A_207, %dma_start3A_460] : memref<16x128xi32, #tpu.memory_space<vmem>> -> memref<1x128xi32, #tpu.memory_space<vmem>>
      %dma_start3A_462 = tpu.memref_squeeze %dma_start3A_461 : memref<1x128xi32, #tpu.memory_space<vmem>> -> memref<128xi32, #tpu.memory_space<vmem>>
      %dma_start3A_463 = arith.constant 0 : i32
      %dma_start3A_464 = arith.constant 0 : i32
      %dma_start3A_465 = tpu.memref_slice %arg5[%dma_start3A_463, %dma_start3A_464] : memref<4096x64xf32, #tpu.memory_space<vmem_shared>> -> memref<4096x64xf32, #tpu.memory_space<vmem_shared>>
      tpu.enqueue_indirect_dma source(%dma_start3A_459 : memref<128x64xf32, #tpu.memory_space<vmem>>) target(%dma_start3A_465 : memref<4096x64xf32, #tpu.memory_space<vmem_shared>>) offsets(%dma_start3A_462 : memref<128xi32, #tpu.memory_space<vmem>>) semaphore(%run_scoped3A_455 : memref<!tpu.dma_semaphore, #tpu.memory_space<semaphore_mem>>) {add = true}
      %dma_wait3A_466 = arith.constant 384 : i32
      %dma_wait3A_467 = arith.constant 0 : i32
      %dma_wait3A_468 = tpu.memref_slice %arg8[%run_scoped3A_206, %dma_wait3A_466, %dma_wait3A_467] : memref<2x512x64xf32, #tpu.memory_space<vmem>> -> memref<1x128x64xf32, #tpu.memory_space<vmem>>
      %dma_wait3A_469 = tpu.memref_squeeze %dma_wait3A_468 : memref<1x128x64xf32, #tpu.memory_space<vmem>> -> memref<128x64xf32, #tpu.memory_space<vmem>>
      %dma_wait3A_470 = arith.constant 0 : i32
      %dma_wait3A_471 = tpu.memref_slice %arg7[%run_scoped3A_207, %dma_wait3A_470] : memref<16x128xi32, #tpu.memory_space<vmem>> -> memref<1x128xi32, #tpu.memory_space<vmem>>
      %dma_wait3A_472 = tpu.memref_squeeze %dma_wait3A_471 : memref<1x128xi32, #tpu.memory_space<vmem>> -> memref<128xi32, #tpu.memory_space<vmem>>
      %dma_wait3A_473 = arith.constant 0 : i32
      %dma_wait3A_474 = arith.constant 0 : i32
      %dma_wait3A_475 = tpu.memref_slice %arg5[%dma_wait3A_473, %dma_wait3A_474] : memref<4096x64xf32, #tpu.memory_space<vmem_shared>> -> memref<4096x64xf32, #tpu.memory_space<vmem_shared>>
      tpu.wait_indirect_dma semaphore(%run_scoped3A_455 : memref<!tpu.dma_semaphore, #tpu.memory_space<semaphore_mem>>) src(%dma_wait3A_469 : memref<128x64xf32, #tpu.memory_space<vmem>>) dst(%dma_wait3A_475 : memref<4096x64xf32, #tpu.memory_space<vmem_shared>>)
      tpu.yield
    }) : () -> ()
    %mul3A_208 = arith.constant 2048 : i32
    %mul3A_209 = arith.muli %arg1, %mul3A_208 : i32
    %add3A_210 = arith.constant 1536 : i32
    %add3A_211 = arith.addi %mul3A_209, %add3A_210 : i32
    %mul3A_212 = arith.constant 64 : i32
    %mul3A_213 = arith.muli %arg0, %mul3A_212 : i32
    %dma_start3A_214 = arith.constant 1 : i32
    %dma_start3A_215 = arith.constant 1 : i32
    %dma_start3A_216 = arith.constant 0 : i32
    %dma_start3A_217 = arith.constant 0 : i32
    %dma_start3A_218 = tpu.memref_slice %arg8[%dma_start3A_214, %dma_start3A_216, %dma_start3A_217] : memref<2x512x64xf32, #tpu.memory_space<vmem>> -> memref<1x512x64xf32, #tpu.memory_space<vmem>>
    %dma_start3A_219 = tpu.memref_squeeze %dma_start3A_218 : memref<1x512x64xf32, #tpu.memory_space<vmem>> -> memref<512x64xf32, #tpu.memory_space<vmem>>
    %dma_start3A_220 = tpu.memref_slice %arg2[%add3A_211, %mul3A_213] : memref<32768x128xf32, #tpu.memory_space<hbm>> -> memref<512x64xf32, #tpu.memory_space<hbm>>
    %dma_start3A_221 = tpu.memref_slice %arg16[%dma_start3A_215] : memref<2x!tpu.dma_semaphore, #tpu.memory_space<semaphore_mem>> -> memref<1x!tpu.dma_semaphore, #tpu.memory_space<semaphore_mem>>
    %dma_start3A_222 = tpu.memref_squeeze %dma_start3A_221 : memref<1x!tpu.dma_semaphore, #tpu.memory_space<semaphore_mem>> -> memref<!tpu.dma_semaphore, #tpu.memory_space<semaphore_mem>>
    %dma_start3A_223 = arith.constant 0 : i32
    %dma_start3A_224 = arith.constant 0 : i32
    %dma_start3A_225 = tpu.memref_slice %arg8[%dma_start3A_214, %dma_start3A_223, %dma_start3A_224] : memref<2x512x64xf32, #tpu.memory_space<vmem>> -> memref<1x512x64xf32, #tpu.memory_space<vmem>>
    %dma_start3A_226 = tpu.memref_squeeze %dma_start3A_225 : memref<1x512x64xf32, #tpu.memory_space<vmem>> -> memref<512x64xf32, #tpu.memory_space<vmem>>
    %dma_start3A_227 = tpu.memref_slice %arg2[%add3A_211, %mul3A_213] : memref<32768x128xf32, #tpu.memory_space<hbm>> -> memref<512x64xf32, #tpu.memory_space<hbm>>
    tpu.enqueue_dma source(%dma_start3A_227 : memref<512x64xf32, #tpu.memory_space<hbm>>) target(%dma_start3A_226 : memref<512x64xf32, #tpu.memory_space<vmem>>) target_semaphore(%dma_start3A_222 : memref<!tpu.dma_semaphore, #tpu.memory_space<semaphore_mem>>)
    %mul3A_228 = arith.constant 2048 : i32
    %mul3A_229 = arith.muli %arg1, %mul3A_228 : i32
    %add3A_230 = arith.constant 1024 : i32
    %add3A_231 = arith.addi %mul3A_229, %add3A_230 : i32
    %mul3A_232 = arith.constant 64 : i32
    %mul3A_233 = arith.muli %arg0, %mul3A_232 : i32
    %dma_wait3A_234 = arith.constant 0 : i32
    %dma_wait3A_235 = arith.constant 0 : i32
    %dma_wait3A_236 = arith.constant 0 : i32
    %dma_wait3A_237 = arith.constant 0 : i32
    %dma_wait3A_238 = tpu.memref_slice %arg8[%dma_wait3A_234, %dma_wait3A_236, %dma_wait3A_237] : memref<2x512x64xf32, #tpu.memory_space<vmem>> -> memref<1x512x64xf32, #tpu.memory_space<vmem>>
    %dma_wait3A_239 = tpu.memref_squeeze %dma_wait3A_238 : memref<1x512x64xf32, #tpu.memory_space<vmem>> -> memref<512x64xf32, #tpu.memory_space<vmem>>
    %dma_wait3A_240 = tpu.memref_slice %arg2[%add3A_231, %mul3A_233] : memref<32768x128xf32, #tpu.memory_space<hbm>> -> memref<512x64xf32, #tpu.memory_space<hbm>>
    %dma_wait3A_241 = tpu.memref_slice %arg16[%dma_wait3A_235] : memref<2x!tpu.dma_semaphore, #tpu.memory_space<semaphore_mem>> -> memref<1x!tpu.dma_semaphore, #tpu.memory_space<semaphore_mem>>
    %dma_wait3A_242 = tpu.memref_squeeze %dma_wait3A_241 : memref<1x!tpu.dma_semaphore, #tpu.memory_space<semaphore_mem>> -> memref<!tpu.dma_semaphore, #tpu.memory_space<semaphore_mem>>
    %dma_wait3A_243 = arith.constant 0 : i32
    %dma_wait3A_244 = arith.constant 0 : i32
    %dma_wait3A_245 = tpu.memref_slice %arg8[%dma_wait3A_234, %dma_wait3A_243, %dma_wait3A_244] : memref<2x512x64xf32, #tpu.memory_space<vmem>> -> memref<1x512x64xf32, #tpu.memory_space<vmem>>
    %dma_wait3A_246 = tpu.memref_squeeze %dma_wait3A_245 : memref<1x512x64xf32, #tpu.memory_space<vmem>> -> memref<512x64xf32, #tpu.memory_space<vmem>>
    %dma_wait3A_247 = tpu.memref_slice %arg2[%add3A_231, %mul3A_233] : memref<32768x128xf32, #tpu.memory_space<hbm>> -> memref<512x64xf32, #tpu.memory_space<hbm>>
    tpu.wait_dma2 semaphore(%dma_wait3A_242 : memref<!tpu.dma_semaphore, #tpu.memory_space<semaphore_mem>>) src(%dma_wait3A_247 : memref<512x64xf32, #tpu.memory_space<hbm>>) dst(%dma_wait3A_246 : memref<512x64xf32, #tpu.memory_space<vmem>>)
    %run_scoped3A_248 = arith.constant 0 : i32
    %run_scoped3A_249 = arith.constant 8 : i32
    "tpu.region"() ({
      %run_scoped3A_455 = tpu.sem_alloc : memref<!tpu.dma_semaphore, #tpu.memory_space<semaphore_mem>>
      %dma_start3A_456 = arith.constant 0 : i32
      %dma_start3A_457 = arith.constant 0 : i32
      %dma_start3A_458 = tpu.memref_slice %arg8[%run_scoped3A_248, %dma_start3A_456, %dma_start3A_457] : memref<2x512x64xf32, #tpu.memory_space<vmem>> -> memref<1x128x64xf32, #tpu.memory_space<vmem>>
      %dma_start3A_459 = tpu.memref_squeeze %dma_start3A_458 : memref<1x128x64xf32, #tpu.memory_space<vmem>> -> memref<128x64xf32, #tpu.memory_space<vmem>>
      %dma_start3A_460 = arith.constant 0 : i32
      %dma_start3A_461 = tpu.memref_slice %arg7[%run_scoped3A_249, %dma_start3A_460] : memref<16x128xi32, #tpu.memory_space<vmem>> -> memref<1x128xi32, #tpu.memory_space<vmem>>
      %dma_start3A_462 = tpu.memref_squeeze %dma_start3A_461 : memref<1x128xi32, #tpu.memory_space<vmem>> -> memref<128xi32, #tpu.memory_space<vmem>>
      %dma_start3A_463 = arith.constant 0 : i32
      %dma_start3A_464 = arith.constant 0 : i32
      %dma_start3A_465 = tpu.memref_slice %arg5[%dma_start3A_463, %dma_start3A_464] : memref<4096x64xf32, #tpu.memory_space<vmem_shared>> -> memref<4096x64xf32, #tpu.memory_space<vmem_shared>>
      tpu.enqueue_indirect_dma source(%dma_start3A_459 : memref<128x64xf32, #tpu.memory_space<vmem>>) target(%dma_start3A_465 : memref<4096x64xf32, #tpu.memory_space<vmem_shared>>) offsets(%dma_start3A_462 : memref<128xi32, #tpu.memory_space<vmem>>) semaphore(%run_scoped3A_455 : memref<!tpu.dma_semaphore, #tpu.memory_space<semaphore_mem>>) {add = true}
      %dma_wait3A_466 = arith.constant 0 : i32
      %dma_wait3A_467 = arith.constant 0 : i32
      %dma_wait3A_468 = tpu.memref_slice %arg8[%run_scoped3A_248, %dma_wait3A_466, %dma_wait3A_467] : memref<2x512x64xf32, #tpu.memory_space<vmem>> -> memref<1x128x64xf32, #tpu.memory_space<vmem>>
      %dma_wait3A_469 = tpu.memref_squeeze %dma_wait3A_468 : memref<1x128x64xf32, #tpu.memory_space<vmem>> -> memref<128x64xf32, #tpu.memory_space<vmem>>
      %dma_wait3A_470 = arith.constant 0 : i32
      %dma_wait3A_471 = tpu.memref_slice %arg7[%run_scoped3A_249, %dma_wait3A_470] : memref<16x128xi32, #tpu.memory_space<vmem>> -> memref<1x128xi32, #tpu.memory_space<vmem>>
      %dma_wait3A_472 = tpu.memref_squeeze %dma_wait3A_471 : memref<1x128xi32, #tpu.memory_space<vmem>> -> memref<128xi32, #tpu.memory_space<vmem>>
      %dma_wait3A_473 = arith.constant 0 : i32
      %dma_wait3A_474 = arith.constant 0 : i32
      %dma_wait3A_475 = tpu.memref_slice %arg5[%dma_wait3A_473, %dma_wait3A_474] : memref<4096x64xf32, #tpu.memory_space<vmem_shared>> -> memref<4096x64xf32, #tpu.memory_space<vmem_shared>>
      tpu.wait_indirect_dma semaphore(%run_scoped3A_455 : memref<!tpu.dma_semaphore, #tpu.memory_space<semaphore_mem>>) src(%dma_wait3A_469 : memref<128x64xf32, #tpu.memory_space<vmem>>) dst(%dma_wait3A_475 : memref<4096x64xf32, #tpu.memory_space<vmem_shared>>)
      tpu.yield
    }) : () -> ()
    %run_scoped3A_250 = arith.constant 0 : i32
    %run_scoped3A_251 = arith.constant 9 : i32
    "tpu.region"() ({
      %run_scoped3A_455 = tpu.sem_alloc : memref<!tpu.dma_semaphore, #tpu.memory_space<semaphore_mem>>
      %dma_start3A_456 = arith.constant 128 : i32
      %dma_start3A_457 = arith.constant 0 : i32
      %dma_start3A_458 = tpu.memref_slice %arg8[%run_scoped3A_250, %dma_start3A_456, %dma_start3A_457] : memref<2x512x64xf32, #tpu.memory_space<vmem>> -> memref<1x128x64xf32, #tpu.memory_space<vmem>>
      %dma_start3A_459 = tpu.memref_squeeze %dma_start3A_458 : memref<1x128x64xf32, #tpu.memory_space<vmem>> -> memref<128x64xf32, #tpu.memory_space<vmem>>
      %dma_start3A_460 = arith.constant 0 : i32
      %dma_start3A_461 = tpu.memref_slice %arg7[%run_scoped3A_251, %dma_start3A_460] : memref<16x128xi32, #tpu.memory_space<vmem>> -> memref<1x128xi32, #tpu.memory_space<vmem>>
      %dma_start3A_462 = tpu.memref_squeeze %dma_start3A_461 : memref<1x128xi32, #tpu.memory_space<vmem>> -> memref<128xi32, #tpu.memory_space<vmem>>
      %dma_start3A_463 = arith.constant 0 : i32
      %dma_start3A_464 = arith.constant 0 : i32
      %dma_start3A_465 = tpu.memref_slice %arg5[%dma_start3A_463, %dma_start3A_464] : memref<4096x64xf32, #tpu.memory_space<vmem_shared>> -> memref<4096x64xf32, #tpu.memory_space<vmem_shared>>
      tpu.enqueue_indirect_dma source(%dma_start3A_459 : memref<128x64xf32, #tpu.memory_space<vmem>>) target(%dma_start3A_465 : memref<4096x64xf32, #tpu.memory_space<vmem_shared>>) offsets(%dma_start3A_462 : memref<128xi32, #tpu.memory_space<vmem>>) semaphore(%run_scoped3A_455 : memref<!tpu.dma_semaphore, #tpu.memory_space<semaphore_mem>>) {add = true}
      %dma_wait3A_466 = arith.constant 128 : i32
      %dma_wait3A_467 = arith.constant 0 : i32
      %dma_wait3A_468 = tpu.memref_slice %arg8[%run_scoped3A_250, %dma_wait3A_466, %dma_wait3A_467] : memref<2x512x64xf32, #tpu.memory_space<vmem>> -> memref<1x128x64xf32, #tpu.memory_space<vmem>>
      %dma_wait3A_469 = tpu.memref_squeeze %dma_wait3A_468 : memref<1x128x64xf32, #tpu.memory_space<vmem>> -> memref<128x64xf32, #tpu.memory_space<vmem>>
      %dma_wait3A_470 = arith.constant 0 : i32
      %dma_wait3A_471 = tpu.memref_slice %arg7[%run_scoped3A_251, %dma_wait3A_470] : memref<16x128xi32, #tpu.memory_space<vmem>> -> memref<1x128xi32, #tpu.memory_space<vmem>>
      %dma_wait3A_472 = tpu.memref_squeeze %dma_wait3A_471 : memref<1x128xi32, #tpu.memory_space<vmem>> -> memref<128xi32, #tpu.memory_space<vmem>>
      %dma_wait3A_473 = arith.constant 0 : i32
      %dma_wait3A_474 = arith.constant 0 : i32
      %dma_wait3A_475 = tpu.memref_slice %arg5[%dma_wait3A_473, %dma_wait3A_474] : memref<4096x64xf32, #tpu.memory_space<vmem_shared>> -> memref<4096x64xf32, #tpu.memory_space<vmem_shared>>
      tpu.wait_indirect_dma semaphore(%run_scoped3A_455 : memref<!tpu.dma_semaphore, #tpu.memory_space<semaphore_mem>>) src(%dma_wait3A_469 : memref<128x64xf32, #tpu.memory_space<vmem>>) dst(%dma_wait3A_475 : memref<4096x64xf32, #tpu.memory_space<vmem_shared>>)
      tpu.yield
    }) : () -> ()
    %run_scoped3A_252 = arith.constant 0 : i32
    %run_scoped3A_253 = arith.constant 10 : i32
    "tpu.region"() ({
      %run_scoped3A_455 = tpu.sem_alloc : memref<!tpu.dma_semaphore, #tpu.memory_space<semaphore_mem>>
      %dma_start3A_456 = arith.constant 256 : i32
      %dma_start3A_457 = arith.constant 0 : i32
      %dma_start3A_458 = tpu.memref_slice %arg8[%run_scoped3A_252, %dma_start3A_456, %dma_start3A_457] : memref<2x512x64xf32, #tpu.memory_space<vmem>> -> memref<1x128x64xf32, #tpu.memory_space<vmem>>
      %dma_start3A_459 = tpu.memref_squeeze %dma_start3A_458 : memref<1x128x64xf32, #tpu.memory_space<vmem>> -> memref<128x64xf32, #tpu.memory_space<vmem>>
      %dma_start3A_460 = arith.constant 0 : i32
      %dma_start3A_461 = tpu.memref_slice %arg7[%run_scoped3A_253, %dma_start3A_460] : memref<16x128xi32, #tpu.memory_space<vmem>> -> memref<1x128xi32, #tpu.memory_space<vmem>>
      %dma_start3A_462 = tpu.memref_squeeze %dma_start3A_461 : memref<1x128xi32, #tpu.memory_space<vmem>> -> memref<128xi32, #tpu.memory_space<vmem>>
      %dma_start3A_463 = arith.constant 0 : i32
      %dma_start3A_464 = arith.constant 0 : i32
      %dma_start3A_465 = tpu.memref_slice %arg5[%dma_start3A_463, %dma_start3A_464] : memref<4096x64xf32, #tpu.memory_space<vmem_shared>> -> memref<4096x64xf32, #tpu.memory_space<vmem_shared>>
      tpu.enqueue_indirect_dma source(%dma_start3A_459 : memref<128x64xf32, #tpu.memory_space<vmem>>) target(%dma_start3A_465 : memref<4096x64xf32, #tpu.memory_space<vmem_shared>>) offsets(%dma_start3A_462 : memref<128xi32, #tpu.memory_space<vmem>>) semaphore(%run_scoped3A_455 : memref<!tpu.dma_semaphore, #tpu.memory_space<semaphore_mem>>) {add = true}
      %dma_wait3A_466 = arith.constant 256 : i32
      %dma_wait3A_467 = arith.constant 0 : i32
      %dma_wait3A_468 = tpu.memref_slice %arg8[%run_scoped3A_252, %dma_wait3A_466, %dma_wait3A_467] : memref<2x512x64xf32, #tpu.memory_space<vmem>> -> memref<1x128x64xf32, #tpu.memory_space<vmem>>
      %dma_wait3A_469 = tpu.memref_squeeze %dma_wait3A_468 : memref<1x128x64xf32, #tpu.memory_space<vmem>> -> memref<128x64xf32, #tpu.memory_space<vmem>>
      %dma_wait3A_470 = arith.constant 0 : i32
      %dma_wait3A_471 = tpu.memref_slice %arg7[%run_scoped3A_253, %dma_wait3A_470] : memref<16x128xi32, #tpu.memory_space<vmem>> -> memref<1x128xi32, #tpu.memory_space<vmem>>
      %dma_wait3A_472 = tpu.memref_squeeze %dma_wait3A_471 : memref<1x128xi32, #tpu.memory_space<vmem>> -> memref<128xi32, #tpu.memory_space<vmem>>
      %dma_wait3A_473 = arith.constant 0 : i32
      %dma_wait3A_474 = arith.constant 0 : i32
      %dma_wait3A_475 = tpu.memref_slice %arg5[%dma_wait3A_473, %dma_wait3A_474] : memref<4096x64xf32, #tpu.memory_space<vmem_shared>> -> memref<4096x64xf32, #tpu.memory_space<vmem_shared>>
      tpu.wait_indirect_dma semaphore(%run_scoped3A_455 : memref<!tpu.dma_semaphore, #tpu.memory_space<semaphore_mem>>) src(%dma_wait3A_469 : memref<128x64xf32, #tpu.memory_space<vmem>>) dst(%dma_wait3A_475 : memref<4096x64xf32, #tpu.memory_space<vmem_shared>>)
      tpu.yield
    }) : () -> ()
    %run_scoped3A_254 = arith.constant 0 : i32
    %run_scoped3A_255 = arith.constant 11 : i32
    "tpu.region"() ({
      %run_scoped3A_455 = tpu.sem_alloc : memref<!tpu.dma_semaphore, #tpu.memory_space<semaphore_mem>>
      %dma_start3A_456 = arith.constant 384 : i32
      %dma_start3A_457 = arith.constant 0 : i32
      %dma_start3A_458 = tpu.memref_slice %arg8[%run_scoped3A_254, %dma_start3A_456, %dma_start3A_457] : memref<2x512x64xf32, #tpu.memory_space<vmem>> -> memref<1x128x64xf32, #tpu.memory_space<vmem>>
      %dma_start3A_459 = tpu.memref_squeeze %dma_start3A_458 : memref<1x128x64xf32, #tpu.memory_space<vmem>> -> memref<128x64xf32, #tpu.memory_space<vmem>>
      %dma_start3A_460 = arith.constant 0 : i32
      %dma_start3A_461 = tpu.memref_slice %arg7[%run_scoped3A_255, %dma_start3A_460] : memref<16x128xi32, #tpu.memory_space<vmem>> -> memref<1x128xi32, #tpu.memory_space<vmem>>
      %dma_start3A_462 = tpu.memref_squeeze %dma_start3A_461 : memref<1x128xi32, #tpu.memory_space<vmem>> -> memref<128xi32, #tpu.memory_space<vmem>>
      %dma_start3A_463 = arith.constant 0 : i32
      %dma_start3A_464 = arith.constant 0 : i32
      %dma_start3A_465 = tpu.memref_slice %arg5[%dma_start3A_463, %dma_start3A_464] : memref<4096x64xf32, #tpu.memory_space<vmem_shared>> -> memref<4096x64xf32, #tpu.memory_space<vmem_shared>>
      tpu.enqueue_indirect_dma source(%dma_start3A_459 : memref<128x64xf32, #tpu.memory_space<vmem>>) target(%dma_start3A_465 : memref<4096x64xf32, #tpu.memory_space<vmem_shared>>) offsets(%dma_start3A_462 : memref<128xi32, #tpu.memory_space<vmem>>) semaphore(%run_scoped3A_455 : memref<!tpu.dma_semaphore, #tpu.memory_space<semaphore_mem>>) {add = true}
      %dma_wait3A_466 = arith.constant 384 : i32
      %dma_wait3A_467 = arith.constant 0 : i32
      %dma_wait3A_468 = tpu.memref_slice %arg8[%run_scoped3A_254, %dma_wait3A_466, %dma_wait3A_467] : memref<2x512x64xf32, #tpu.memory_space<vmem>> -> memref<1x128x64xf32, #tpu.memory_space<vmem>>
      %dma_wait3A_469 = tpu.memref_squeeze %dma_wait3A_468 : memref<1x128x64xf32, #tpu.memory_space<vmem>> -> memref<128x64xf32, #tpu.memory_space<vmem>>
      %dma_wait3A_470 = arith.constant 0 : i32
      %dma_wait3A_471 = tpu.memref_slice %arg7[%run_scoped3A_255, %dma_wait3A_470] : memref<16x128xi32, #tpu.memory_space<vmem>> -> memref<1x128xi32, #tpu.memory_space<vmem>>
      %dma_wait3A_472 = tpu.memref_squeeze %dma_wait3A_471 : memref<1x128xi32, #tpu.memory_space<vmem>> -> memref<128xi32, #tpu.memory_space<vmem>>
      %dma_wait3A_473 = arith.constant 0 : i32
      %dma_wait3A_474 = arith.constant 0 : i32
      %dma_wait3A_475 = tpu.memref_slice %arg5[%dma_wait3A_473, %dma_wait3A_474] : memref<4096x64xf32, #tpu.memory_space<vmem_shared>> -> memref<4096x64xf32, #tpu.memory_space<vmem_shared>>
      tpu.wait_indirect_dma semaphore(%run_scoped3A_455 : memref<!tpu.dma_semaphore, #tpu.memory_space<semaphore_mem>>) src(%dma_wait3A_469 : memref<128x64xf32, #tpu.memory_space<vmem>>) dst(%dma_wait3A_475 : memref<4096x64xf32, #tpu.memory_space<vmem_shared>>)
      tpu.yield
    }) : () -> ()
    %mul3A_256 = arith.constant 2048 : i32
    %mul3A_257 = arith.muli %arg1, %mul3A_256 : i32
    %add3A_258 = arith.constant 1536 : i32
    %add3A_259 = arith.addi %mul3A_257, %add3A_258 : i32
    %mul3A_260 = arith.constant 64 : i32
    %mul3A_261 = arith.muli %arg0, %mul3A_260 : i32
    %dma_wait3A_262 = arith.constant 1 : i32
    %dma_wait3A_263 = arith.constant 1 : i32
    %dma_wait3A_264 = arith.constant 0 : i32
    %dma_wait3A_265 = arith.constant 0 : i32
    %dma_wait3A_266 = tpu.memref_slice %arg8[%dma_wait3A_262, %dma_wait3A_264, %dma_wait3A_265] : memref<2x512x64xf32, #tpu.memory_space<vmem>> -> memref<1x512x64xf32, #tpu.memory_space<vmem>>
    %dma_wait3A_267 = tpu.memref_squeeze %dma_wait3A_266 : memref<1x512x64xf32, #tpu.memory_space<vmem>> -> memref<512x64xf32, #tpu.memory_space<vmem>>
    %dma_wait3A_268 = tpu.memref_slice %arg2[%add3A_259, %mul3A_261] : memref<32768x128xf32, #tpu.memory_space<hbm>> -> memref<512x64xf32, #tpu.memory_space<hbm>>
    %dma_wait3A_269 = tpu.memref_slice %arg16[%dma_wait3A_263] : memref<2x!tpu.dma_semaphore, #tpu.memory_space<semaphore_mem>> -> memref<1x!tpu.dma_semaphore, #tpu.memory_space<semaphore_mem>>
    %dma_wait3A_270 = tpu.memref_squeeze %dma_wait3A_269 : memref<1x!tpu.dma_semaphore, #tpu.memory_space<semaphore_mem>> -> memref<!tpu.dma_semaphore, #tpu.memory_space<semaphore_mem>>
    %dma_wait3A_271 = arith.constant 0 : i32
    %dma_wait3A_272 = arith.constant 0 : i32
    %dma_wait3A_273 = tpu.memref_slice %arg8[%dma_wait3A_262, %dma_wait3A_271, %dma_wait3A_272] : memref<2x512x64xf32, #tpu.memory_space<vmem>> -> memref<1x512x64xf32, #tpu.memory_space<vmem>>
    %dma_wait3A_274 = tpu.memref_squeeze %dma_wait3A_273 : memref<1x512x64xf32, #tpu.memory_space<vmem>> -> memref<512x64xf32, #tpu.memory_space<vmem>>
    %dma_wait3A_275 = tpu.memref_slice %arg2[%add3A_259, %mul3A_261] : memref<32768x128xf32, #tpu.memory_space<hbm>> -> memref<512x64xf32, #tpu.memory_space<hbm>>
    tpu.wait_dma2 semaphore(%dma_wait3A_270 : memref<!tpu.dma_semaphore, #tpu.memory_space<semaphore_mem>>) src(%dma_wait3A_275 : memref<512x64xf32, #tpu.memory_space<hbm>>) dst(%dma_wait3A_274 : memref<512x64xf32, #tpu.memory_space<vmem>>)
    %run_scoped3A_276 = arith.constant 1 : i32
    %run_scoped3A_277 = arith.constant 12 : i32
    "tpu.region"() ({
      %run_scoped3A_455 = tpu.sem_alloc : memref<!tpu.dma_semaphore, #tpu.memory_space<semaphore_mem>>
      %dma_start3A_456 = arith.constant 0 : i32
      %dma_start3A_457 = arith.constant 0 : i32
      %dma_start3A_458 = tpu.memref_slice %arg8[%run_scoped3A_276, %dma_start3A_456, %dma_start3A_457] : memref<2x512x64xf32, #tpu.memory_space<vmem>> -> memref<1x128x64xf32, #tpu.memory_space<vmem>>
      %dma_start3A_459 = tpu.memref_squeeze %dma_start3A_458 : memref<1x128x64xf32, #tpu.memory_space<vmem>> -> memref<128x64xf32, #tpu.memory_space<vmem>>
      %dma_start3A_460 = arith.constant 0 : i32
      %dma_start3A_461 = tpu.memref_slice %arg7[%run_scoped3A_277, %dma_start3A_460] : memref<16x128xi32, #tpu.memory_space<vmem>> -> memref<1x128xi32, #tpu.memory_space<vmem>>
      %dma_start3A_462 = tpu.memref_squeeze %dma_start3A_461 : memref<1x128xi32, #tpu.memory_space<vmem>> -> memref<128xi32, #tpu.memory_space<vmem>>
      %dma_start3A_463 = arith.constant 0 : i32
      %dma_start3A_464 = arith.constant 0 : i32
      %dma_start3A_465 = tpu.memref_slice %arg5[%dma_start3A_463, %dma_start3A_464] : memref<4096x64xf32, #tpu.memory_space<vmem_shared>> -> memref<4096x64xf32, #tpu.memory_space<vmem_shared>>
      tpu.enqueue_indirect_dma source(%dma_start3A_459 : memref<128x64xf32, #tpu.memory_space<vmem>>) target(%dma_start3A_465 : memref<4096x64xf32, #tpu.memory_space<vmem_shared>>) offsets(%dma_start3A_462 : memref<128xi32, #tpu.memory_space<vmem>>) semaphore(%run_scoped3A_455 : memref<!tpu.dma_semaphore, #tpu.memory_space<semaphore_mem>>) {add = true}
      %dma_wait3A_466 = arith.constant 0 : i32
      %dma_wait3A_467 = arith.constant 0 : i32
      %dma_wait3A_468 = tpu.memref_slice %arg8[%run_scoped3A_276, %dma_wait3A_466, %dma_wait3A_467] : memref<2x512x64xf32, #tpu.memory_space<vmem>> -> memref<1x128x64xf32, #tpu.memory_space<vmem>>
      %dma_wait3A_469 = tpu.memref_squeeze %dma_wait3A_468 : memref<1x128x64xf32, #tpu.memory_space<vmem>> -> memref<128x64xf32, #tpu.memory_space<vmem>>
      %dma_wait3A_470 = arith.constant 0 : i32
      %dma_wait3A_471 = tpu.memref_slice %arg7[%run_scoped3A_277, %dma_wait3A_470] : memref<16x128xi32, #tpu.memory_space<vmem>> -> memref<1x128xi32, #tpu.memory_space<vmem>>
      %dma_wait3A_472 = tpu.memref_squeeze %dma_wait3A_471 : memref<1x128xi32, #tpu.memory_space<vmem>> -> memref<128xi32, #tpu.memory_space<vmem>>
      %dma_wait3A_473 = arith.constant 0 : i32
      %dma_wait3A_474 = arith.constant 0 : i32
      %dma_wait3A_475 = tpu.memref_slice %arg5[%dma_wait3A_473, %dma_wait3A_474] : memref<4096x64xf32, #tpu.memory_space<vmem_shared>> -> memref<4096x64xf32, #tpu.memory_space<vmem_shared>>
      tpu.wait_indirect_dma semaphore(%run_scoped3A_455 : memref<!tpu.dma_semaphore, #tpu.memory_space<semaphore_mem>>) src(%dma_wait3A_469 : memref<128x64xf32, #tpu.memory_space<vmem>>) dst(%dma_wait3A_475 : memref<4096x64xf32, #tpu.memory_space<vmem_shared>>)
      tpu.yield
    }) : () -> ()
    %run_scoped3A_278 = arith.constant 1 : i32
    %run_scoped3A_279 = arith.constant 13 : i32
    "tpu.region"() ({
      %run_scoped3A_455 = tpu.sem_alloc : memref<!tpu.dma_semaphore, #tpu.memory_space<semaphore_mem>>
      %dma_start3A_456 = arith.constant 128 : i32
      %dma_start3A_457 = arith.constant 0 : i32
      %dma_start3A_458 = tpu.memref_slice %arg8[%run_scoped3A_278, %dma_start3A_456, %dma_start3A_457] : memref<2x512x64xf32, #tpu.memory_space<vmem>> -> memref<1x128x64xf32, #tpu.memory_space<vmem>>
      %dma_start3A_459 = tpu.memref_squeeze %dma_start3A_458 : memref<1x128x64xf32, #tpu.memory_space<vmem>> -> memref<128x64xf32, #tpu.memory_space<vmem>>
      %dma_start3A_460 = arith.constant 0 : i32
      %dma_start3A_461 = tpu.memref_slice %arg7[%run_scoped3A_279, %dma_start3A_460] : memref<16x128xi32, #tpu.memory_space<vmem>> -> memref<1x128xi32, #tpu.memory_space<vmem>>
      %dma_start3A_462 = tpu.memref_squeeze %dma_start3A_461 : memref<1x128xi32, #tpu.memory_space<vmem>> -> memref<128xi32, #tpu.memory_space<vmem>>
      %dma_start3A_463 = arith.constant 0 : i32
      %dma_start3A_464 = arith.constant 0 : i32
      %dma_start3A_465 = tpu.memref_slice %arg5[%dma_start3A_463, %dma_start3A_464] : memref<4096x64xf32, #tpu.memory_space<vmem_shared>> -> memref<4096x64xf32, #tpu.memory_space<vmem_shared>>
      tpu.enqueue_indirect_dma source(%dma_start3A_459 : memref<128x64xf32, #tpu.memory_space<vmem>>) target(%dma_start3A_465 : memref<4096x64xf32, #tpu.memory_space<vmem_shared>>) offsets(%dma_start3A_462 : memref<128xi32, #tpu.memory_space<vmem>>) semaphore(%run_scoped3A_455 : memref<!tpu.dma_semaphore, #tpu.memory_space<semaphore_mem>>) {add = true}
      %dma_wait3A_466 = arith.constant 128 : i32
      %dma_wait3A_467 = arith.constant 0 : i32
      %dma_wait3A_468 = tpu.memref_slice %arg8[%run_scoped3A_278, %dma_wait3A_466, %dma_wait3A_467] : memref<2x512x64xf32, #tpu.memory_space<vmem>> -> memref<1x128x64xf32, #tpu.memory_space<vmem>>
      %dma_wait3A_469 = tpu.memref_squeeze %dma_wait3A_468 : memref<1x128x64xf32, #tpu.memory_space<vmem>> -> memref<128x64xf32, #tpu.memory_space<vmem>>
      %dma_wait3A_470 = arith.constant 0 : i32
      %dma_wait3A_471 = tpu.memref_slice %arg7[%run_scoped3A_279, %dma_wait3A_470] : memref<16x128xi32, #tpu.memory_space<vmem>> -> memref<1x128xi32, #tpu.memory_space<vmem>>
      %dma_wait3A_472 = tpu.memref_squeeze %dma_wait3A_471 : memref<1x128xi32, #tpu.memory_space<vmem>> -> memref<128xi32, #tpu.memory_space<vmem>>
      %dma_wait3A_473 = arith.constant 0 : i32
      %dma_wait3A_474 = arith.constant 0 : i32
      %dma_wait3A_475 = tpu.memref_slice %arg5[%dma_wait3A_473, %dma_wait3A_474] : memref<4096x64xf32, #tpu.memory_space<vmem_shared>> -> memref<4096x64xf32, #tpu.memory_space<vmem_shared>>
      tpu.wait_indirect_dma semaphore(%run_scoped3A_455 : memref<!tpu.dma_semaphore, #tpu.memory_space<semaphore_mem>>) src(%dma_wait3A_469 : memref<128x64xf32, #tpu.memory_space<vmem>>) dst(%dma_wait3A_475 : memref<4096x64xf32, #tpu.memory_space<vmem_shared>>)
      tpu.yield
    }) : () -> ()
    %run_scoped3A_280 = arith.constant 1 : i32
    %run_scoped3A_281 = arith.constant 14 : i32
    "tpu.region"() ({
      %run_scoped3A_455 = tpu.sem_alloc : memref<!tpu.dma_semaphore, #tpu.memory_space<semaphore_mem>>
      %dma_start3A_456 = arith.constant 256 : i32
      %dma_start3A_457 = arith.constant 0 : i32
      %dma_start3A_458 = tpu.memref_slice %arg8[%run_scoped3A_280, %dma_start3A_456, %dma_start3A_457] : memref<2x512x64xf32, #tpu.memory_space<vmem>> -> memref<1x128x64xf32, #tpu.memory_space<vmem>>
      %dma_start3A_459 = tpu.memref_squeeze %dma_start3A_458 : memref<1x128x64xf32, #tpu.memory_space<vmem>> -> memref<128x64xf32, #tpu.memory_space<vmem>>
      %dma_start3A_460 = arith.constant 0 : i32
      %dma_start3A_461 = tpu.memref_slice %arg7[%run_scoped3A_281, %dma_start3A_460] : memref<16x128xi32, #tpu.memory_space<vmem>> -> memref<1x128xi32, #tpu.memory_space<vmem>>
      %dma_start3A_462 = tpu.memref_squeeze %dma_start3A_461 : memref<1x128xi32, #tpu.memory_space<vmem>> -> memref<128xi32, #tpu.memory_space<vmem>>
      %dma_start3A_463 = arith.constant 0 : i32
      %dma_start3A_464 = arith.constant 0 : i32
      %dma_start3A_465 = tpu.memref_slice %arg5[%dma_start3A_463, %dma_start3A_464] : memref<4096x64xf32, #tpu.memory_space<vmem_shared>> -> memref<4096x64xf32, #tpu.memory_space<vmem_shared>>
      tpu.enqueue_indirect_dma source(%dma_start3A_459 : memref<128x64xf32, #tpu.memory_space<vmem>>) target(%dma_start3A_465 : memref<4096x64xf32, #tpu.memory_space<vmem_shared>>) offsets(%dma_start3A_462 : memref<128xi32, #tpu.memory_space<vmem>>) semaphore(%run_scoped3A_455 : memref<!tpu.dma_semaphore, #tpu.memory_space<semaphore_mem>>) {add = true}
      %dma_wait3A_466 = arith.constant 256 : i32
      %dma_wait3A_467 = arith.constant 0 : i32
      %dma_wait3A_468 = tpu.memref_slice %arg8[%run_scoped3A_280, %dma_wait3A_466, %dma_wait3A_467] : memref<2x512x64xf32, #tpu.memory_space<vmem>> -> memref<1x128x64xf32, #tpu.memory_space<vmem>>
      %dma_wait3A_469 = tpu.memref_squeeze %dma_wait3A_468 : memref<1x128x64xf32, #tpu.memory_space<vmem>> -> memref<128x64xf32, #tpu.memory_space<vmem>>
      %dma_wait3A_470 = arith.constant 0 : i32
      %dma_wait3A_471 = tpu.memref_slice %arg7[%run_scoped3A_281, %dma_wait3A_470] : memref<16x128xi32, #tpu.memory_space<vmem>> -> memref<1x128xi32, #tpu.memory_space<vmem>>
      %dma_wait3A_472 = tpu.memref_squeeze %dma_wait3A_471 : memref<1x128xi32, #tpu.memory_space<vmem>> -> memref<128xi32, #tpu.memory_space<vmem>>
      %dma_wait3A_473 = arith.constant 0 : i32
      %dma_wait3A_474 = arith.constant 0 : i32
      %dma_wait3A_475 = tpu.memref_slice %arg5[%dma_wait3A_473, %dma_wait3A_474] : memref<4096x64xf32, #tpu.memory_space<vmem_shared>> -> memref<4096x64xf32, #tpu.memory_space<vmem_shared>>
      tpu.wait_indirect_dma semaphore(%run_scoped3A_455 : memref<!tpu.dma_semaphore, #tpu.memory_space<semaphore_mem>>) src(%dma_wait3A_469 : memref<128x64xf32, #tpu.memory_space<vmem>>) dst(%dma_wait3A_475 : memref<4096x64xf32, #tpu.memory_space<vmem_shared>>)
      tpu.yield
    }) : () -> ()
    %run_scoped3A_282 = arith.constant 1 : i32
    %run_scoped3A_283 = arith.constant 15 : i32
    "tpu.region"() ({
      %run_scoped3A_455 = tpu.sem_alloc : memref<!tpu.dma_semaphore, #tpu.memory_space<semaphore_mem>>
      %dma_start3A_456 = arith.constant 384 : i32
      %dma_start3A_457 = arith.constant 0 : i32
      %dma_start3A_458 = tpu.memref_slice %arg8[%run_scoped3A_282, %dma_start3A_456, %dma_start3A_457] : memref<2x512x64xf32, #tpu.memory_space<vmem>> -> memref<1x128x64xf32, #tpu.memory_space<vmem>>
      %dma_start3A_459 = tpu.memref_squeeze %dma_start3A_458 : memref<1x128x64xf32, #tpu.memory_space<vmem>> -> memref<128x64xf32, #tpu.memory_space<vmem>>
      %dma_start3A_460 = arith.constant 0 : i32
      %dma_start3A_461 = tpu.memref_slice %arg7[%run_scoped3A_283, %dma_start3A_460] : memref<16x128xi32, #tpu.memory_space<vmem>> -> memref<1x128xi32, #tpu.memory_space<vmem>>
      %dma_start3A_462 = tpu.memref_squeeze %dma_start3A_461 : memref<1x128xi32, #tpu.memory_space<vmem>> -> memref<128xi32, #tpu.memory_space<vmem>>
      %dma_start3A_463 = arith.constant 0 : i32
      %dma_start3A_464 = arith.constant 0 : i32
      %dma_start3A_465 = tpu.memref_slice %arg5[%dma_start3A_463, %dma_start3A_464] : memref<4096x64xf32, #tpu.memory_space<vmem_shared>> -> memref<4096x64xf32, #tpu.memory_space<vmem_shared>>
      tpu.enqueue_indirect_dma source(%dma_start3A_459 : memref<128x64xf32, #tpu.memory_space<vmem>>) target(%dma_start3A_465 : memref<4096x64xf32, #tpu.memory_space<vmem_shared>>) offsets(%dma_start3A_462 : memref<128xi32, #tpu.memory_space<vmem>>) semaphore(%run_scoped3A_455 : memref<!tpu.dma_semaphore, #tpu.memory_space<semaphore_mem>>) {add = true}
      %dma_wait3A_466 = arith.constant 384 : i32
      %dma_wait3A_467 = arith.constant 0 : i32
      %dma_wait3A_468 = tpu.memref_slice %arg8[%run_scoped3A_282, %dma_wait3A_466, %dma_wait3A_467] : memref<2x512x64xf32, #tpu.memory_space<vmem>> -> memref<1x128x64xf32, #tpu.memory_space<vmem>>
      %dma_wait3A_469 = tpu.memref_squeeze %dma_wait3A_468 : memref<1x128x64xf32, #tpu.memory_space<vmem>> -> memref<128x64xf32, #tpu.memory_space<vmem>>
      %dma_wait3A_470 = arith.constant 0 : i32
      %dma_wait3A_471 = tpu.memref_slice %arg7[%run_scoped3A_283, %dma_wait3A_470] : memref<16x128xi32, #tpu.memory_space<vmem>> -> memref<1x128xi32, #tpu.memory_space<vmem>>
      %dma_wait3A_472 = tpu.memref_squeeze %dma_wait3A_471 : memref<1x128xi32, #tpu.memory_space<vmem>> -> memref<128xi32, #tpu.memory_space<vmem>>
      %dma_wait3A_473 = arith.constant 0 : i32
      %dma_wait3A_474 = arith.constant 0 : i32
      %dma_wait3A_475 = tpu.memref_slice %arg5[%dma_wait3A_473, %dma_wait3A_474] : memref<4096x64xf32, #tpu.memory_space<vmem_shared>> -> memref<4096x64xf32, #tpu.memory_space<vmem_shared>>
      tpu.wait_indirect_dma semaphore(%run_scoped3A_455 : memref<!tpu.dma_semaphore, #tpu.memory_space<semaphore_mem>>) src(%dma_wait3A_469 : memref<128x64xf32, #tpu.memory_space<vmem>>) dst(%dma_wait3A_475 : memref<4096x64xf32, #tpu.memory_space<vmem_shared>>)
      tpu.yield
    }) : () -> ()
    "tpu.region"() ({
      %run_scoped3A_455 = tpu.sem_alloc : memref<!tpu.dma_semaphore, #tpu.memory_space<semaphore_mem>>
      %dma_start3A_456 = arith.constant 0 : i32
      %dma_start3A_457 = arith.constant 0 : i32
      %dma_start3A_458 = tpu.memref_slice %arg6[%dma_start3A_456, %dma_start3A_457] : memref<32x128xf32, #tpu.memory_space<vmem_shared>> -> memref<32x128xf32, #tpu.memory_space<vmem_shared>>
      tpu.enqueue_indirect_dma source(%arg11 : memref<32x128xf32, #tpu.memory_space<vmem>>) target(%dma_start3A_458 : memref<32x128xf32, #tpu.memory_space<vmem_shared>>) offsets(%arg12 : memref<32xi32, #tpu.memory_space<vmem>>) semaphore(%run_scoped3A_455 : memref<!tpu.dma_semaphore, #tpu.memory_space<semaphore_mem>>) {add = true}
      %dma_wait3A_459 = arith.constant 0 : i32
      %dma_wait3A_460 = arith.constant 0 : i32
      %dma_wait3A_461 = tpu.memref_slice %arg6[%dma_wait3A_459, %dma_wait3A_460] : memref<32x128xf32, #tpu.memory_space<vmem_shared>> -> memref<32x128xf32, #tpu.memory_space<vmem_shared>>
      tpu.wait_indirect_dma semaphore(%run_scoped3A_455 : memref<!tpu.dma_semaphore, #tpu.memory_space<semaphore_mem>>) src(%arg11 : memref<32x128xf32, #tpu.memory_space<vmem>>) dst(%dma_wait3A_461 : memref<32x128xf32, #tpu.memory_space<vmem_shared>>)
      tpu.yield
    }) : () -> ()
    %barrier3A_284 = arith.constant 0 : index
    tpu.barrier barrier_id(%barrier3A_284)
    %mul3A_285 = arith.constant 256 : i32
    %mul3A_286 = arith.muli %arg1, %mul3A_285 : i32
    "tpu.region"() ({
      %run_scoped3A_455 = tpu.sem_alloc : memref<!tpu.dma_semaphore, #tpu.memory_space<semaphore_mem>>
      %dma_start3A_456 = arith.constant 0 : i32
      %dma_start3A_457 = tpu.memref_slice %arg5[%mul3A_286, %dma_start3A_456] : memref<4096x64xf32, #tpu.memory_space<vmem_shared>> -> memref<256x64xf32, #tpu.memory_space<vmem_shared>>
      %dma_start3A_458 = arith.constant 0 : i32
      %dma_start3A_459 = tpu.memref_slice %arg5[%mul3A_286, %dma_start3A_458] : memref<4096x64xf32, #tpu.memory_space<vmem_shared>> -> memref<256x64xf32, #tpu.memory_space<vmem_shared>>
      tpu.enqueue_dma source(%dma_start3A_459 : memref<256x64xf32, #tpu.memory_space<vmem_shared>>) target(%arg13 : memref<256x64xf32, #tpu.memory_space<vmem>>) target_semaphore(%run_scoped3A_455 : memref<!tpu.dma_semaphore, #tpu.memory_space<semaphore_mem>>)
      %dma_wait3A_460 = arith.constant 0 : i32
      %dma_wait3A_461 = tpu.memref_slice %arg5[%mul3A_286, %dma_wait3A_460] : memref<4096x64xf32, #tpu.memory_space<vmem_shared>> -> memref<256x64xf32, #tpu.memory_space<vmem_shared>>
      %dma_wait3A_462 = arith.constant 0 : i32
      %dma_wait3A_463 = tpu.memref_slice %arg5[%mul3A_286, %dma_wait3A_462] : memref<4096x64xf32, #tpu.memory_space<vmem_shared>> -> memref<256x64xf32, #tpu.memory_space<vmem_shared>>
      tpu.wait_dma2 semaphore(%run_scoped3A_455 : memref<!tpu.dma_semaphore, #tpu.memory_space<semaphore_mem>>) src(%dma_wait3A_463 : memref<256x64xf32, #tpu.memory_space<vmem_shared>>) dst(%arg13 : memref<256x64xf32, #tpu.memory_space<vmem>>)
      tpu.yield
    }) : () -> ()
    %mul3A_287 = arith.constant 2 : i32
    %mul3A_288 = arith.muli %arg1, %mul3A_287 : i32
    "tpu.region"() ({
      %run_scoped3A_455 = tpu.sem_alloc : memref<!tpu.dma_semaphore, #tpu.memory_space<semaphore_mem>>
      %dma_start3A_456 = arith.constant 0 : i32
      %dma_start3A_457 = tpu.memref_slice %arg6[%mul3A_288, %dma_start3A_456] : memref<32x128xf32, #tpu.memory_space<vmem_shared>> -> memref<2x128xf32, #tpu.memory_space<vmem_shared>>
      %dma_start3A_458 = arith.constant 0 : i32
      %dma_start3A_459 = tpu.memref_slice %arg6[%mul3A_288, %dma_start3A_458] : memref<32x128xf32, #tpu.memory_space<vmem_shared>> -> memref<2x128xf32, #tpu.memory_space<vmem_shared>>
      tpu.enqueue_dma source(%dma_start3A_459 : memref<2x128xf32, #tpu.memory_space<vmem_shared>>) target(%arg14 : memref<2x128xf32, #tpu.memory_space<vmem>>) target_semaphore(%run_scoped3A_455 : memref<!tpu.dma_semaphore, #tpu.memory_space<semaphore_mem>>)
      %dma_wait3A_460 = arith.constant 0 : i32
      %dma_wait3A_461 = tpu.memref_slice %arg6[%mul3A_288, %dma_wait3A_460] : memref<32x128xf32, #tpu.memory_space<vmem_shared>> -> memref<2x128xf32, #tpu.memory_space<vmem_shared>>
      %dma_wait3A_462 = arith.constant 0 : i32
      %dma_wait3A_463 = tpu.memref_slice %arg6[%mul3A_288, %dma_wait3A_462] : memref<32x128xf32, #tpu.memory_space<vmem_shared>> -> memref<2x128xf32, #tpu.memory_space<vmem_shared>>
      tpu.wait_dma2 semaphore(%run_scoped3A_455 : memref<!tpu.dma_semaphore, #tpu.memory_space<semaphore_mem>>) src(%dma_wait3A_463 : memref<2x128xf32, #tpu.memory_space<vmem_shared>>) dst(%arg14 : memref<2x128xf32, #tpu.memory_space<vmem>>)
      tpu.yield
    }) : () -> ()
    %get3A = arith.constant 0 : i32
    %get3A_289 = arith.index_cast %get3A : i32 to index
    %get3A_290 = arith.constant 0 : index
    %get3A_291 = tpu.vector_load %arg14[%get3A_289, %get3A_290] {strides = array<i32>} : memref<2x128xf32, #tpu.memory_space<vmem>>, vector<16xf32>,
    %max3A = arith.maximumf %get3A_291, %broadcast_in_dim3A_39 : vector<16xf32>
    %div3A = arith.constant 1.000000e+00 : f32
    %div3A_292 = vector.broadcast %div3A : f32 to vector<16xf32>
    %div3A_293 = arith.divf %div3A_292, %max3A : vector<16xf32>
    %swap3A_294 = arith.constant 0 : index
    %swap3A_295 = tpu.vector_load %arg15[%swap3A_294] {strides = array<i32>} : memref<256xf32, #tpu.memory_space<vmem>>, vector<16xf32>,
    tpu.vector_store %arg15[%swap3A_294], %div3A_293 {strides = array<i32>} : memref<256xf32, #tpu.memory_space<vmem>>, vector<16xf32>,
    %get3A_296 = arith.constant 0 : i32
    %get3A_297 = arith.index_cast %get3A_296 : i32 to index
    %get3A_298 = arith.constant 16 : index
    %get3A_299 = tpu.vector_load %arg14[%get3A_297, %get3A_298] {strides = array<i32>} : memref<2x128xf32, #tpu.memory_space<vmem>>, vector<16xf32>,
    %max3A_300 = arith.maximumf %get3A_299, %broadcast_in_dim3A_39 : vector<16xf32>
    %div3A_301 = arith.constant 1.000000e+00 : f32
    %div3A_302 = vector.broadcast %div3A_301 : f32 to vector<16xf32>
    %div3A_303 = arith.divf %div3A_302, %max3A_300 : vector<16xf32>
    %swap3A_304 = arith.constant 16 : index
    %swap3A_305 = tpu.vector_load %arg15[%swap3A_304] {strides = array<i32>} : memref<256xf32, #tpu.memory_space<vmem>>, vector<16xf32>,
    tpu.vector_store %arg15[%swap3A_304], %div3A_303 {strides = array<i32>} : memref<256xf32, #tpu.memory_space<vmem>>, vector<16xf32>,
    %get3A_306 = arith.constant 0 : i32
    %get3A_307 = arith.index_cast %get3A_306 : i32 to index
    %get3A_308 = arith.constant 32 : index
    %get3A_309 = tpu.vector_load %arg14[%get3A_307, %get3A_308] {strides = array<i32>} : memref<2x128xf32, #tpu.memory_space<vmem>>, vector<16xf32>,
    %max3A_310 = arith.maximumf %get3A_309, %broadcast_in_dim3A_39 : vector<16xf32>
    %div3A_311 = arith.constant 1.000000e+00 : f32
    %div3A_312 = vector.broadcast %div3A_311 : f32 to vector<16xf32>
    %div3A_313 = arith.divf %div3A_312, %max3A_310 : vector<16xf32>
    %swap3A_314 = arith.constant 32 : index
    %swap3A_315 = tpu.vector_load %arg15[%swap3A_314] {strides = array<i32>} : memref<256xf32, #tpu.memory_space<vmem>>, vector<16xf32>,
    tpu.vector_store %arg15[%swap3A_314], %div3A_313 {strides = array<i32>} : memref<256xf32, #tpu.memory_space<vmem>>, vector<16xf32>,
    %get3A_316 = arith.constant 0 : i32
    %get3A_317 = arith.index_cast %get3A_316 : i32 to index
    %get3A_318 = arith.constant 48 : index
    %get3A_319 = tpu.vector_load %arg14[%get3A_317, %get3A_318] {strides = array<i32>} : memref<2x128xf32, #tpu.memory_space<vmem>>, vector<16xf32>,
    %max3A_320 = arith.maximumf %get3A_319, %broadcast_in_dim3A_39 : vector<16xf32>
    %div3A_321 = arith.constant 1.000000e+00 : f32
    %div3A_322 = vector.broadcast %div3A_321 : f32 to vector<16xf32>
    %div3A_323 = arith.divf %div3A_322, %max3A_320 : vector<16xf32>
    %swap3A_324 = arith.constant 48 : index
    %swap3A_325 = tpu.vector_load %arg15[%swap3A_324] {strides = array<i32>} : memref<256xf32, #tpu.memory_space<vmem>>, vector<16xf32>,
    tpu.vector_store %arg15[%swap3A_324], %div3A_323 {strides = array<i32>} : memref<256xf32, #tpu.memory_space<vmem>>, vector<16xf32>,
    %get3A_326 = arith.constant 0 : i32
    %get3A_327 = arith.index_cast %get3A_326 : i32 to index
    %get3A_328 = arith.constant 64 : index
    %get3A_329 = tpu.vector_load %arg14[%get3A_327, %get3A_328] {strides = array<i32>} : memref<2x128xf32, #tpu.memory_space<vmem>>, vector<16xf32>,
    %max3A_330 = arith.maximumf %get3A_329, %broadcast_in_dim3A_39 : vector<16xf32>
    %div3A_331 = arith.constant 1.000000e+00 : f32
    %div3A_332 = vector.broadcast %div3A_331 : f32 to vector<16xf32>
    %div3A_333 = arith.divf %div3A_332, %max3A_330 : vector<16xf32>
    %swap3A_334 = arith.constant 64 : index
    %swap3A_335 = tpu.vector_load %arg15[%swap3A_334] {strides = array<i32>} : memref<256xf32, #tpu.memory_space<vmem>>, vector<16xf32>,
    tpu.vector_store %arg15[%swap3A_334], %div3A_333 {strides = array<i32>} : memref<256xf32, #tpu.memory_space<vmem>>, vector<16xf32>,
    %get3A_336 = arith.constant 0 : i32
    %get3A_337 = arith.index_cast %get3A_336 : i32 to index
    %get3A_338 = arith.constant 80 : index
    %get3A_339 = tpu.vector_load %arg14[%get3A_337, %get3A_338] {strides = array<i32>} : memref<2x128xf32, #tpu.memory_space<vmem>>, vector<16xf32>,
    %max3A_340 = arith.maximumf %get3A_339, %broadcast_in_dim3A_39 : vector<16xf32>
    %div3A_341 = arith.constant 1.000000e+00 : f32
    %div3A_342 = vector.broadcast %div3A_341 : f32 to vector<16xf32>
    %div3A_343 = arith.divf %div3A_342, %max3A_340 : vector<16xf32>
    %swap3A_344 = arith.constant 80 : index
    %swap3A_345 = tpu.vector_load %arg15[%swap3A_344] {strides = array<i32>} : memref<256xf32, #tpu.memory_space<vmem>>, vector<16xf32>,
    tpu.vector_store %arg15[%swap3A_344], %div3A_343 {strides = array<i32>} : memref<256xf32, #tpu.memory_space<vmem>>, vector<16xf32>,
    %get3A_346 = arith.constant 0 : i32
    %get3A_347 = arith.index_cast %get3A_346 : i32 to index
    %get3A_348 = arith.constant 96 : index
    %get3A_349 = tpu.vector_load %arg14[%get3A_347, %get3A_348] {strides = array<i32>} : memref<2x128xf32, #tpu.memory_space<vmem>>, vector<16xf32>,
    %max3A_350 = arith.maximumf %get3A_349, %broadcast_in_dim3A_39 : vector<16xf32>
    %div3A_351 = arith.constant 1.000000e+00 : f32
    %div3A_352 = vector.broadcast %div3A_351 : f32 to vector<16xf32>
    %div3A_353 = arith.divf %div3A_352, %max3A_350 : vector<16xf32>
    %swap3A_354 = arith.constant 96 : index
    %swap3A_355 = tpu.vector_load %arg15[%swap3A_354] {strides = array<i32>} : memref<256xf32, #tpu.memory_space<vmem>>, vector<16xf32>,
    tpu.vector_store %arg15[%swap3A_354], %div3A_353 {strides = array<i32>} : memref<256xf32, #tpu.memory_space<vmem>>, vector<16xf32>,
    %get3A_356 = arith.constant 0 : i32
    %get3A_357 = arith.index_cast %get3A_356 : i32 to index
    %get3A_358 = arith.constant 112 : index
    %get3A_359 = tpu.vector_load %arg14[%get3A_357, %get3A_358] {strides = array<i32>} : memref<2x128xf32, #tpu.memory_space<vmem>>, vector<16xf32>,
    %max3A_360 = arith.maximumf %get3A_359, %broadcast_in_dim3A_39 : vector<16xf32>
    %div3A_361 = arith.constant 1.000000e+00 : f32
    %div3A_362 = vector.broadcast %div3A_361 : f32 to vector<16xf32>
    %div3A_363 = arith.divf %div3A_362, %max3A_360 : vector<16xf32>
    %swap3A_364 = arith.constant 112 : index
    %swap3A_365 = tpu.vector_load %arg15[%swap3A_364] {strides = array<i32>} : memref<256xf32, #tpu.memory_space<vmem>>, vector<16xf32>,
    tpu.vector_store %arg15[%swap3A_364], %div3A_363 {strides = array<i32>} : memref<256xf32, #tpu.memory_space<vmem>>, vector<16xf32>,
    %get3A_366 = arith.constant 1 : i32
    %get3A_367 = arith.index_cast %get3A_366 : i32 to index
    %get3A_368 = arith.constant 0 : index
    %get3A_369 = tpu.vector_load %arg14[%get3A_367, %get3A_368] {strides = array<i32>} : memref<2x128xf32, #tpu.memory_space<vmem>>, vector<16xf32>,
    %max3A_370 = arith.maximumf %get3A_369, %broadcast_in_dim3A_39 : vector<16xf32>
    %div3A_371 = arith.constant 1.000000e+00 : f32
    %div3A_372 = vector.broadcast %div3A_371 : f32 to vector<16xf32>
    %div3A_373 = arith.divf %div3A_372, %max3A_370 : vector<16xf32>
    %swap3A_374 = arith.constant 128 : index
    %swap3A_375 = tpu.vector_load %arg15[%swap3A_374] {strides = array<i32>} : memref<256xf32, #tpu.memory_space<vmem>>, vector<16xf32>,
    tpu.vector_store %arg15[%swap3A_374], %div3A_373 {strides = array<i32>} : memref<256xf32, #tpu.memory_space<vmem>>, vector<16xf32>,
    %get3A_376 = arith.constant 1 : i32
    %get3A_377 = arith.index_cast %get3A_376 : i32 to index
    %get3A_378 = arith.constant 16 : index
    %get3A_379 = tpu.vector_load %arg14[%get3A_377, %get3A_378] {strides = array<i32>} : memref<2x128xf32, #tpu.memory_space<vmem>>, vector<16xf32>,
    %max3A_380 = arith.maximumf %get3A_379, %broadcast_in_dim3A_39 : vector<16xf32>
    %div3A_381 = arith.constant 1.000000e+00 : f32
    %div3A_382 = vector.broadcast %div3A_381 : f32 to vector<16xf32>
    %div3A_383 = arith.divf %div3A_382, %max3A_380 : vector<16xf32>
    %swap3A_384 = arith.constant 144 : index
    %swap3A_385 = tpu.vector_load %arg15[%swap3A_384] {strides = array<i32>} : memref<256xf32, #tpu.memory_space<vmem>>, vector<16xf32>,
    tpu.vector_store %arg15[%swap3A_384], %div3A_383 {strides = array<i32>} : memref<256xf32, #tpu.memory_space<vmem>>, vector<16xf32>,
    %get3A_386 = arith.constant 1 : i32
    %get3A_387 = arith.index_cast %get3A_386 : i32 to index
    %get3A_388 = arith.constant 32 : index
    %get3A_389 = tpu.vector_load %arg14[%get3A_387, %get3A_388] {strides = array<i32>} : memref<2x128xf32, #tpu.memory_space<vmem>>, vector<16xf32>,
    %max3A_390 = arith.maximumf %get3A_389, %broadcast_in_dim3A_39 : vector<16xf32>
    %div3A_391 = arith.constant 1.000000e+00 : f32
    %div3A_392 = vector.broadcast %div3A_391 : f32 to vector<16xf32>
    %div3A_393 = arith.divf %div3A_392, %max3A_390 : vector<16xf32>
    %swap3A_394 = arith.constant 160 : index
    %swap3A_395 = tpu.vector_load %arg15[%swap3A_394] {strides = array<i32>} : memref<256xf32, #tpu.memory_space<vmem>>, vector<16xf32>,
    tpu.vector_store %arg15[%swap3A_394], %div3A_393 {strides = array<i32>} : memref<256xf32, #tpu.memory_space<vmem>>, vector<16xf32>,
    %get3A_396 = arith.constant 1 : i32
    %get3A_397 = arith.index_cast %get3A_396 : i32 to index
    %get3A_398 = arith.constant 48 : index
    %get3A_399 = tpu.vector_load %arg14[%get3A_397, %get3A_398] {strides = array<i32>} : memref<2x128xf32, #tpu.memory_space<vmem>>, vector<16xf32>,
    %max3A_400 = arith.maximumf %get3A_399, %broadcast_in_dim3A_39 : vector<16xf32>
    %div3A_401 = arith.constant 1.000000e+00 : f32
    %div3A_402 = vector.broadcast %div3A_401 : f32 to vector<16xf32>
    %div3A_403 = arith.divf %div3A_402, %max3A_400 : vector<16xf32>
    %swap3A_404 = arith.constant 176 : index
    %swap3A_405 = tpu.vector_load %arg15[%swap3A_404] {strides = array<i32>} : memref<256xf32, #tpu.memory_space<vmem>>, vector<16xf32>,
    tpu.vector_store %arg15[%swap3A_404], %div3A_403 {strides = array<i32>} : memref<256xf32, #tpu.memory_space<vmem>>, vector<16xf32>,
    %get3A_406 = arith.constant 1 : i32
    %get3A_407 = arith.index_cast %get3A_406 : i32 to index
    %get3A_408 = arith.constant 64 : index
    %get3A_409 = tpu.vector_load %arg14[%get3A_407, %get3A_408] {strides = array<i32>} : memref<2x128xf32, #tpu.memory_space<vmem>>, vector<16xf32>,
    %max3A_410 = arith.maximumf %get3A_409, %broadcast_in_dim3A_39 : vector<16xf32>
    %div3A_411 = arith.constant 1.000000e+00 : f32
    %div3A_412 = vector.broadcast %div3A_411 : f32 to vector<16xf32>
    %div3A_413 = arith.divf %div3A_412, %max3A_410 : vector<16xf32>
    %swap3A_414 = arith.constant 192 : index
    %swap3A_415 = tpu.vector_load %arg15[%swap3A_414] {strides = array<i32>} : memref<256xf32, #tpu.memory_space<vmem>>, vector<16xf32>,
    tpu.vector_store %arg15[%swap3A_414], %div3A_413 {strides = array<i32>} : memref<256xf32, #tpu.memory_space<vmem>>, vector<16xf32>,
    %get3A_416 = arith.constant 1 : i32
    %get3A_417 = arith.index_cast %get3A_416 : i32 to index
    %get3A_418 = arith.constant 80 : index
    %get3A_419 = tpu.vector_load %arg14[%get3A_417, %get3A_418] {strides = array<i32>} : memref<2x128xf32, #tpu.memory_space<vmem>>, vector<16xf32>,
    %max3A_420 = arith.maximumf %get3A_419, %broadcast_in_dim3A_39 : vector<16xf32>
    %div3A_421 = arith.constant 1.000000e+00 : f32
    %div3A_422 = vector.broadcast %div3A_421 : f32 to vector<16xf32>
    %div3A_423 = arith.divf %div3A_422, %max3A_420 : vector<16xf32>
    %swap3A_424 = arith.constant 208 : index
    %swap3A_425 = tpu.vector_load %arg15[%swap3A_424] {strides = array<i32>} : memref<256xf32, #tpu.memory_space<vmem>>, vector<16xf32>,
    tpu.vector_store %arg15[%swap3A_424], %div3A_423 {strides = array<i32>} : memref<256xf32, #tpu.memory_space<vmem>>, vector<16xf32>,
    %get3A_426 = arith.constant 1 : i32
    %get3A_427 = arith.index_cast %get3A_426 : i32 to index
    %get3A_428 = arith.constant 96 : index
    %get3A_429 = tpu.vector_load %arg14[%get3A_427, %get3A_428] {strides = array<i32>} : memref<2x128xf32, #tpu.memory_space<vmem>>, vector<16xf32>,
    %max3A_430 = arith.maximumf %get3A_429, %broadcast_in_dim3A_39 : vector<16xf32>
    %div3A_431 = arith.constant 1.000000e+00 : f32
    %div3A_432 = vector.broadcast %div3A_431 : f32 to vector<16xf32>
    %div3A_433 = arith.divf %div3A_432, %max3A_430 : vector<16xf32>
    %swap3A_434 = arith.constant 224 : index
    %swap3A_435 = tpu.vector_load %arg15[%swap3A_434] {strides = array<i32>} : memref<256xf32, #tpu.memory_space<vmem>>, vector<16xf32>,
    tpu.vector_store %arg15[%swap3A_434], %div3A_433 {strides = array<i32>} : memref<256xf32, #tpu.memory_space<vmem>>, vector<16xf32>,
    %get3A_436 = arith.constant 1 : i32
    %get3A_437 = arith.index_cast %get3A_436 : i32 to index
    %get3A_438 = arith.constant 112 : index
    %get3A_439 = tpu.vector_load %arg14[%get3A_437, %get3A_438] {strides = array<i32>} : memref<2x128xf32, #tpu.memory_space<vmem>>, vector<16xf32>,
    %max3A_440 = arith.maximumf %get3A_439, %broadcast_in_dim3A_39 : vector<16xf32>
    %div3A_441 = arith.constant 1.000000e+00 : f32
    %div3A_442 = vector.broadcast %div3A_441 : f32 to vector<16xf32>
    %div3A_443 = arith.divf %div3A_442, %max3A_440 : vector<16xf32>
    %swap3A_444 = arith.constant 240 : index
    %swap3A_445 = tpu.vector_load %arg15[%swap3A_444] {strides = array<i32>} : memref<256xf32, #tpu.memory_space<vmem>>, vector<16xf32>,
    tpu.vector_store %arg15[%swap3A_444], %div3A_443 {strides = array<i32>} : memref<256xf32, #tpu.memory_space<vmem>>, vector<16xf32>,
    %scan3A_446 = arith.constant 0 : i32
    %scan3A_447 = arith.constant 256 : i32
    %scan3A_448 = arith.addi %scan3A_446, %scan3A_447 : i32
    %scan3A_449 = arith.constant 1 : i32
    scf.for %scan3A_455 = %scan3A_446 to %scan3A_448 step %scan3A_449  : i32 {
      %mul3A_456 = arith.constant 1 : i32
      %mul3A_457 = arith.muli %scan3A_455, %mul3A_456 : i32
      %add3A_458 = arith.constant 0 : i32
      %add3A_459 = arith.addi %add3A_458, %mul3A_457 : i32
      %broadcast_in_dim3A_460 = vector.broadcast %add3A_459 : i32 to vector<16xi32>
      %gather3A = tpu.vector_load_idx %arg15[%broadcast_in_dim3A_460] : memref<256xf32, #tpu.memory_space<vmem>>[vector<16xi32>], vector<16xf32>,
      %get3A_461 = arith.index_cast %add3A_459 : i32 to index
      %get3A_462 = arith.constant 0 : index
      %get3A_463 = tpu.vector_load %arg13[%get3A_461, %get3A_462] {strides = array<i32>} : memref<256x64xf32, #tpu.memory_space<vmem>>, vector<16xf32>,
      %mul3A_464 = arith.mulf %get3A_463, %gather3A : vector<16xf32>
      %swap3A_465 = arith.index_cast %add3A_459 : i32 to index
      %swap3A_466 = arith.constant 0 : index
      %swap3A_467 = tpu.vector_load %arg13[%swap3A_465, %swap3A_466] {strides = array<i32>} : memref<256x64xf32, #tpu.memory_space<vmem>>, vector<16xf32>,
      tpu.vector_store %arg13[%swap3A_465, %swap3A_466], %mul3A_464 {strides = array<i32>} : memref<256x64xf32, #tpu.memory_space<vmem>>, vector<16xf32>,
      %get3A_468 = arith.index_cast %add3A_459 : i32 to index
      %get3A_469 = arith.constant 16 : index
      %get3A_470 = tpu.vector_load %arg13[%get3A_468, %get3A_469] {strides = array<i32>} : memref<256x64xf32, #tpu.memory_space<vmem>>, vector<16xf32>,
      %mul3A_471 = arith.mulf %get3A_470, %gather3A : vector<16xf32>
      %swap3A_472 = arith.index_cast %add3A_459 : i32 to index
      %swap3A_473 = arith.constant 16 : index
      %swap3A_474 = tpu.vector_load %arg13[%swap3A_472, %swap3A_473] {strides = array<i32>} : memref<256x64xf32, #tpu.memory_space<vmem>>, vector<16xf32>,
      tpu.vector_store %arg13[%swap3A_472, %swap3A_473], %mul3A_471 {strides = array<i32>} : memref<256x64xf32, #tpu.memory_space<vmem>>, vector<16xf32>,
      %get3A_475 = arith.index_cast %add3A_459 : i32 to index
      %get3A_476 = arith.constant 32 : index
      %get3A_477 = tpu.vector_load %arg13[%get3A_475, %get3A_476] {strides = array<i32>} : memref<256x64xf32, #tpu.memory_space<vmem>>, vector<16xf32>,
      %mul3A_478 = arith.mulf %get3A_477, %gather3A : vector<16xf32>
      %swap3A_479 = arith.index_cast %add3A_459 : i32 to index
      %swap3A_480 = arith.constant 32 : index
      %swap3A_481 = tpu.vector_load %arg13[%swap3A_479, %swap3A_480] {strides = array<i32>} : memref<256x64xf32, #tpu.memory_space<vmem>>, vector<16xf32>,
      tpu.vector_store %arg13[%swap3A_479, %swap3A_480], %mul3A_478 {strides = array<i32>} : memref<256x64xf32, #tpu.memory_space<vmem>>, vector<16xf32>,
      %get3A_482 = arith.index_cast %add3A_459 : i32 to index
      %get3A_483 = arith.constant 48 : index
      %get3A_484 = tpu.vector_load %arg13[%get3A_482, %get3A_483] {strides = array<i32>} : memref<256x64xf32, #tpu.memory_space<vmem>>, vector<16xf32>,
      %mul3A_485 = arith.mulf %get3A_484, %gather3A : vector<16xf32>
      %swap3A_486 = arith.index_cast %add3A_459 : i32 to index
      %swap3A_487 = arith.constant 48 : index
      %swap3A_488 = tpu.vector_load %arg13[%swap3A_486, %swap3A_487] {strides = array<i32>} : memref<256x64xf32, #tpu.memory_space<vmem>>, vector<16xf32>,
      tpu.vector_store %arg13[%swap3A_486, %swap3A_487], %mul3A_485 {strides = array<i32>} : memref<256x64xf32, #tpu.memory_space<vmem>>, vector<16xf32>,
    }
    %scan3A_450 = arith.constant 256 : i32
    %mul3A_451 = arith.constant 256 : i32
    %mul3A_452 = arith.muli %arg1, %mul3A_451 : i32
    %mul3A_453 = arith.constant 64 : i32
    %mul3A_454 = arith.muli %arg0, %mul3A_453 : i32
    "tpu.region"() ({
      %run_scoped3A_455 = tpu.sem_alloc : memref<!tpu.dma_semaphore, #tpu.memory_space<semaphore_mem>>
      %dma_start3A_456 = tpu.memref_slice %arg4[%mul3A_452, %mul3A_454] : memref<4096x128xf32, #tpu.memory_space<hbm>> -> memref<256x64xf32, #tpu.memory_space<hbm>>
      %dma_start3A_457 = tpu.memref_slice %arg4[%mul3A_452, %mul3A_454] : memref<4096x128xf32, #tpu.memory_space<hbm>> -> memref<256x64xf32, #tpu.memory_space<hbm>>
      tpu.enqueue_dma source(%arg13 : memref<256x64xf32, #tpu.memory_space<vmem>>) target(%dma_start3A_457 : memref<256x64xf32, #tpu.memory_space<hbm>>) target_semaphore(%run_scoped3A_455 : memref<!tpu.dma_semaphore, #tpu.memory_space<semaphore_mem>>)
      %dma_wait3A_458 = tpu.memref_slice %arg4[%mul3A_452, %mul3A_454] : memref<4096x128xf32, #tpu.memory_space<hbm>> -> memref<256x64xf32, #tpu.memory_space<hbm>>
      %dma_wait3A_459 = tpu.memref_slice %arg4[%mul3A_452, %mul3A_454] : memref<4096x128xf32, #tpu.memory_space<hbm>> -> memref<256x64xf32, #tpu.memory_space<hbm>>
      tpu.wait_dma2 semaphore(%run_scoped3A_455 : memref<!tpu.dma_semaphore, #tpu.memory_space<semaphore_mem>>) src(%arg13 : memref<256x64xf32, #tpu.memory_space<vmem>>) dst(%dma_wait3A_459 : memref<256x64xf32, #tpu.memory_space<hbm>>)
      tpu.yield
    }) : () -> ()
    return
  }
}

</mosaic_0001>

<sc_bundles>
// kernel: kernel.3.cloned.1.call-start
scs
__scs_entry_jumppad:
0x0: {  	(pc) =	sbr.rel $0x88, $3  }
0x1: {  	(tag) =	ssettag $0x0;
	lr =	simm.s32 $0x1  }
0x2: {  	[smem:$0x3F9F] =	sst lr;
	_ =	strace $0xD0000000  }
0x3: {  	_ = 	snop  }
0x4: {  	_ = 	snop  }
0x5: {  	_ = 	snop  }
0x6: {  	_ = 	snop  }
0x7: {  	_ = 	snop  }
__scs_overlays_trampoline_lowered:
0x8: {  	[smem:$0x3FAE] =	sst s0  }
0x9: {  	[smem:$0x3FAF] =	sst s1  }
0xa: {  	[smem:$0x3FB0] =	sst s2  }
0xb: {  	[smem:$0x3FB1] =	sst s3  }
0xc: {  	[smem:$0x3FB2] =	sst s4  }
0xd: {  	[smem:$0x3FB3] =	sst s5  }
0xe: {  	[smem:$0x3FB4] =	sst s6  }
0xf: {  	[smem:$0x3FB5] =	sst s7  }
0x10: {  	[smem:$0x3FB6] =	sst s8  }
0x11: {  	[smem:$0x3FB7] =	sst s9;
	s0 =	simm.s32 @!p0 $0x0  }
0x12: {  	s1 =	sld [smem:$0x3F9D];
	s0 =	simm.s32 @p0 $0x1  }
0x13: {  	[smem:$0x3FB8] =	sst s0;
	s0 =	simm.s32 @!p1 $0x0  }
0x14: {  	s2 =	sld [smem:$0x3F9C];
	s0 =	simm.s32 @p1 $0x1  }
0x15: {  	[smem:$0x3FB9] =	sst s0;
	s0 =	simm.s32 @!p2 $0x0  }
0x16: {  	s3 =	sld [smem:$0x3FDB];
	s0 =	simm.s32 @p2 $0x1  }
0x17: {  	s4 =	simm.s32 $0x1BF5;
	[smem:$0x3FBB] =	sst s0  }
0x18: {  	s0 =	sld [smem:$0x3F9E];
	_ =	swait.ge [sflag:s4], $0x0  }
0x19: {  	s7 =	sld [smem:$0x3F9F]  }
0x1a: {  	s8 =	sadd.s32 $0xFFFFE003, lr  }
0x1b: {  	s9 =	sadd.s32 $0xFFFFFEF7, lr;
	s5 =	simm.s32 $0xFFFFFFFF;
	p2 =	slt.u32 s8, $0xFFFFF086  }
0x1c: {  	p1 =	slt.u32 s9, $0xF7A;
	s5 =	simm.s32 @!p2 $0x0  }
0x1d: {  	s5 =	simm.s32 @p1 $0x1;
	p0 =	seq.s32 s7, s2  }
0x1e: {  	s7 =	smul.u32 @!p0 $0xF7A, s2;
	p2 =	seq.s32 @!p0 s5, $0x0  }
0x1f: {  	s9 =	smul.u32 $0xF7A, s1;
	s8 =	simm.s32 @!p0 $0x1BF5;
	p2 =	por !p2, p0  }
0x20: {  	[sflag:s8] =	ssyncset.s32 @!p0 $0xFFFFF086;
	s6 =	sadd.s32 @!p0 s3, s7;
	s7 =	simm.s32 @!p0 $0x108  }
0x21: {  	s3 =	sadd.s32 s3, s9;
	s6 =	sadd.s32 @!p0 $0x88, s6;
	s7 =	simm.s32 @p2 $0x1082  }
0x22: {  	[simem:s7], [sflag:s8] =	dma.local @!p0 [hbm:s6], $0xF7A  }
0x23: {  	s9 =	sor.u32 $0xD0000000, s2;
	s6 =	simm.s32 $0x108;
	_ =	swait.ge @!p0 [sflag:s8], $0x0  }
0x24: {  	s3 =	sadd.s32 $0x88, s3;
	s6 =	simm.s32 @!p1 $0x1082;
	[sflag:s4] =	ssyncset.s32 $0xFFFFF086  }
0x25: {  	[simem:s6], [sflag:s4] =	dma.local [hbm:s3], $0xF7A  }
0x26: {  	[smem:$0x3F9F] =	sst s1;
	(tag) =	ssettag s2;
	_ =	strace s9  }
0x27: {  	s1 =	sld [smem:$0x3FAF]  }
0x28: {  	s2 =	sld [smem:$0x3FB0]  }
0x29: {  	s4 =	sld [smem:$0x3FB2]  }
0x2a: {  	p0 =	seq.s32 s5, $0x0;
	s5 =	sld [smem:$0x3FB3]  }
0x2b: {  	s6 =	sld [smem:$0x3FB4]  }
0x2c: {  	s7 =	sld [smem:$0x3FB5]  }
0x2d: {  	s3 =	simm.s32 $0x108;
	s8 =	sld [smem:$0x3FB6]  }
0x2e: {  	s3 =	simm.s32 @!p0 $0x1082;
	s9 =	sld [smem:$0x3FB7]  }
0x2f: {  	lr =	sadd.s32 s0, s3;
	s0 =	sld [smem:$0x3FAE]  }
0x30: {  	s3 =	sld [smem:$0x3FB1]  }
0x31: {  	[smem:$0x3FBA] =	sst s10  }
0x32: {  	s10 =	sld [smem:$0x3FB8];
	_ =	sdelay $0x3  }
0x33: {  	p0 =	seq.s32 s10, $0x1;
	s10 =	sld [smem:$0x3FBA];
	_ =	sdelay $0x3  }
0x34: {  	[smem:$0x3FBA] =	sst s10  }
0x35: {  	s10 =	sld [smem:$0x3FB9];
	_ =	sdelay $0x3  }
0x36: {  	p1 =	seq.s32 s10, $0x1;
	s10 =	sld [smem:$0x3FBA];
	_ =	sdelay $0x3  }
0x37: {  	[smem:$0x3FBA] =	sst s10  }
0x38: {  	s10 =	sld [smem:$0x3FBB]  }
0x39: {  	_ = 	snop;
	(pc) =	sbr.ind lr, $3  }
0x3a: {  	_ = 	snop  }
0x3b: {  	_ = 	snop  }
0x3c: {  	p2 =	seq.s32 s10, $0x1;
	s10 =	sld [smem:$0x3FBA]  }
0x3d: {  	_ =	shalt  }
0x3e: {  	_ =	shalt  }
0x3f: {  	_ =	shalt  }
0x40: {  	_ =	shalt  }
0x41: {  	_ =	shalt  }
0x42: {  	_ =	shalt  }
0x43: {  	_ =	shalt  }
0x44: {  	_ =	shalt  }
0x45: {  	_ =	shalt  }
0x46: {  	_ =	shalt  }
0x47: {  	_ =	shalt  }
0x48: {  	_ =	shalt  }
0x49: {  	_ =	shalt  }
0x4a: {  	_ =	shalt  }
0x4b: {  	_ =	shalt  }
0x4c: {  	_ =	shalt  }
0x4d: {  	_ =	shalt  }
0x4e: {  	_ =	shalt  }
0x4f: {  	_ =	shalt  }
0x50: {  	_ =	shalt  }
0x51: {  	_ =	shalt  }
0x52: {  	_ =	shalt  }
0x53: {  	_ =	shalt  }
0x54: {  	_ =	shalt  }
0x55: {  	_ =	shalt  }
0x56: {  	_ =	shalt  }
0x57: {  	_ =	shalt  }
0x58: {  	_ =	shalt  }
0x59: {  	_ =	shalt  }
0x5a: {  	_ =	shalt  }
0x5b: {  	_ =	shalt  }
0x5c: {  	_ =	shalt  }
0x5d: {  	_ =	shalt  }
0x5e: {  	_ =	shalt  }
0x5f: {  	_ =	shalt  }
0x60: {  	_ =	shalt  }
0x61: {  	_ =	shalt  }
0x62: {  	_ =	shalt  }
0x63: {  	_ =	shalt  }
0x64: {  	_ =	shalt  }
0x65: {  	_ =	shalt  }
0x66: {  	_ =	shalt  }
0x67: {  	_ =	shalt  }
0x68: {  	_ =	shalt  }
0x69: {  	_ =	shalt  }
0x6a: {  	_ =	shalt  }
0x6b: {  	_ =	shalt  }
0x6c: {  	_ =	shalt  }
0x6d: {  	_ =	shalt  }
0x6e: {  	_ =	shalt  }
0x6f: {  	_ =	shalt  }
0x70: {  	_ =	shalt  }
0x71: {  	_ =	shalt  }
0x72: {  	_ =	shalt  }
0x73: {  	_ =	shalt  }
0x74: {  	_ =	shalt  }
0x75: {  	_ =	shalt  }
0x76: {  	_ =	shalt  }
0x77: {  	_ =	shalt  }
0x78: {  	_ =	shalt  }
0x79: {  	_ =	shalt  }
0x7a: {  	_ =	shalt  }
0x7b: {  	_ =	shalt  }
0x7c: {  	_ =	shalt  }
0x7d: {  	_ =	shalt  }
0x7e: {  	_ =	shalt  }
0x7f: {  	_ =	shalt  }
0x80: {  	_ =	shalt  }
0x81: {  	_ =	shalt  }
0x82: {  	_ =	shalt  }
0x83: {  	_ =	shalt  }
0x84: {  	_ =	shalt  }
0x85: {  	_ =	shalt  }
0x86: {  	_ =	shalt  }
0x87: {  	_ =	shalt  }
.Lfunc_end0:
.L_simem_size_0:
called_computation_lowered:
.L_overlay_start_0:
0x88: {  	s2 =	sld [smem:$0x3FD9]  }
0x89: {  	s3 =	sld [smem:$0x3FFE];
	_ =	sdelay $0x1  }
0x8a: {  	s1 =	srdreg.scid  }
0x8b: {  	s0 =	sand.u32 $0x1, s1  }
0x8c: {  	s18 =	sshll.u32 s0, $0xA;
	s2 =	sadd.s32 s3, s2  }
0x8d: {  	s2 =	sadd.s32 s2, s18  }
0x8e: {  	[smem:$0x3FC6] =	sst s2  }
0x8f: {  	_ = 	snop  }
0x90: {  	s2 =	sld [smem:$0x3FC9]  }
0x91: {  	s19 =	sld [smem:$0x3FC8]  }
0x92: {  	s4 =	sld [smem:$0x3FD0];
	(tm) =	ssettm $0x1  }
0x93: {  	s5 =	sld [smem:$0x3FFB];
	_ =	sdelay $0x3  }
0x94: {  	_ =	strace s5  }
0x95: {  	s5 =	sld [smem:$0x3FFC];
	_ =	sdelay $0x3  }
0x96: {  	_ =	strace s5  }
0x97: {  	s5 =	sld [smem:$0x3FFD];
	_ =	sdelay $0x3  }
0x98: {  	_ =	strace s5  }
0x99: {  	_ =	strace $0x8FFFFFFF  }
0x9a: {  	s20 =	sld [smem:$0x3FDB];
	_ =	sdelay $0x1  }
0x9b: {  	s6 =	simm.s32 $_scs_section_size  }
0x9c: {  	s7 =	simm.s32 $_size__tile_overlayer_lowered;
	s8 =	simm.s32 $_tile_overlayer_lowered  }
0x9d: {  	s23 =	simm.s32 $0x1BFF;
	s22 =	sshll.u32 s8, $0x1;
	s5 =	sadd.s32 s6, s20  }
0x9e: {  	s9 =	simm.s32 $0x0;
	s21 =	sshll.u32 s7, $0x1;
	s7 =	sadd.s32 s22, s5  }
0x9f: {  	[timem:s9], [sflag:s23] =	dma.local [hbm:s7], s21  }
0xa0: {  	_ =	swait.ge [sflag:s23], s21  }
0xa1: {  	s6 =	ssub.s32 $0x0, s21;
	[sflag:s23] =	ssyncset.done $0x0  }
0xa2: {  	[sflag:s23] =	ssyncadd.s32 s6;
	_ =	sdelay $0x1  }
0xa3: {  	s24 =	simm.s32 $0x1B8B  }
0xa4: {  	_ =	swait.ge [sflag:s24], $0x1  }
0xa5: {  	[sflag:s24] =	ssyncset.done $0x0  }
0xa6: {  	s25 =	simm.s32 $0x1B8E;
	[sflag:s24] =	ssyncadd.s32 $0xFFFFFFFF  }
0xa7: {  	s26 =	simm.s32 $execute0_lowered;
	[smem:$0x3FD2] =	sst s25  }
0xa8: {  	s6 =	sshll.u32 s26, $0x1;
	_ =	strace $0x80000046;
	[dreg:$0x1] =	wrdreg $0xFFFFFFFF  }
0xa9: {  	s28 =	simm.s32 $_size_execute0_lowered;
	s5 =	sadd.s32 s5, s6;
	[dreg:$0x0] =	wrdreg $0x0  }
0xaa: {  	s6 =	sshll.u32 s28, $0x1;
	[dreg:$0x2] =	wrdreg s5  }
0xab: {  	[dreg:$0x3] =	wrdreg s6  }
0xac: {  	[dreg:$0x4] =	wrdreg $0xC0  }
0xad: {  	_ =	task [dreg:s9], $0x5FFFF  }
0xae: {  	[dreg:$0x1] =	wrdreg $0xFFFFFFFF  }
0xaf: {  	[dreg:$0x0] =	wrdreg $0x60  }
0xb0: {  	[dreg:$0x2] =	wrdreg s2  }
0xb1: {  	[dreg:$0x3] =	wrdreg s19  }
0xb2: {  	[dreg:$0x4] =	wrdreg s4  }
0xb3: {  	[dreg:$0x5] =	wrdreg $0x0  }
0xb4: {  	[dreg:$0x6] =	wrdreg $0x40000  }
0xb5: {  	[dreg:$0x7] =	wrdreg $0x9  }
0xb6: {  	_ =	task.clear_ibuf [dreg:s9], $0x8FFFF;
	_ =	strace $0x90000046  }
0xb7: {  	s29 =	simm.s32 $0x9;
	_ =	strace $0x80000048  }
0xb8: {  	_ =	swait.ge [sflag:s29], $0x1  }
0xb9: {  	[sflag:s29] =	ssyncadd.s32 $0xFFFFFFFF  }
0xba: {  	_ =	strace $0x90000048  }
0xbb: {  	_ =	sfence  }
0xbc: {  	s30 =	sld [smem:$0x0];
	_ =	sdelay $0x2  }
0xbd: {  	s31 =	sshll.u32 s1, $0xD;
	s1 =	sshrl.u32 s1, $0x2  }
0xbe: {  	s3 =	sand.u32 $0x4000, s31;
	s1 =	sadd.s32 s1, s30  }
0xbf: {  	s0 =	sor.u32 s3, s0;
	s1 =	sshll.u32 s1, $0x11  }
0xc0: {  	s0 =	sor.u32 s1, s0  }
0xc1: {  	s0 =	sadd.s32 $0x8F2B, s0  }
0xc2: {  	[sflag:s0] =	ssyncadd.remote.s32 $0x1  }
0xc3: {  	_ =	sfence.sel $0xFFFF  }
0xc4: {  	[dreg:$0x0] =	wrdreg $0xFFFFFFFF;
	(pc) =	sbr.abs _section_cstart, $3  }
0xc5: {  	[dreg:$0x1] =	wrdreg $0xFFFFFFFF  }
0xc6: {  	_ =	task.clear_ibuf [dreg:s9], $0x2FFFF;
	_ =	strace $0x9FFFFFFF  }
0xc7: {  	(tm) =	ssettm $0x7FFFFFFF  }
tec
execute0_lowered:
.L_overlay_start_1:
0x0: {  	(tag) =	ssettag $0x1  }
0x1: {  	s0 =	rddreg [dreg:$0x0]  }
0x2: {  	s1 =	rddreg [dreg:$0x1]  }
0x3: {  	s3 =	rddreg [dreg:$0x2]  }
0x4: {  	s2 =	rddreg [dreg:$0x3]  }
0x5: {  	s4 =	srdreg.scid;
	s10 =	rddreg [dreg:$0x4]  }
0x6: {  	s9 =	stileid.u32;
	s15 =	simm.s32 $0x40;
	s16 =	simm.s32 $0x80  }
0x7: {  	s17 =	simm.s32 $0x4900;
	s18 =	simm.s32 $0xC900;
	s19 =	simm.s32 $0x4100  }
0x8: {  	s20 =	simm.s32 $0x3;
	s21 =	simm.s32 $0x14900;
	s23 =	simm.s32 $0x16A00  }
0x9: {  	s29 =	simm.s32 $0x8900;
	s31 =	simm.s32 $0xA900;
	s22 =	simm.s32 $0xE900  }
0xa: {  	s28 =	simm.s32 $0x10900;
	s5 =	sand.u32 $0x1, s4;
	s7 =	sshll.u32 s9, $0x12  }
0xb: {  	s4 =	simm.s32 $0x0;
	s24 =	sshll.u32 s9, $0x8;
	s25 =	sshll.u32 s9, $0xE  }
0xc: {  	s26 =	sshll.u32 s9, $0xF;
	s6 =	sshll.u32 s5, $0x6;
	s5 =	ssub.s32 $0x2, s5  }
0xd: {  	[smem:$0x7FF] =	sst s4;
	s1 =	sadd.s32 s1, s24;
	s10 =	sadd.s32 s24, s10  }
0xe: {  	s24 =	simm.s32 $0x1;
	s7 =	sor.u32 s6, s7;
	s8 =	sshrl.u32 s5, $0x1  }
0xf: {  	_ =	strace $0x80000047;
	[dreg:$0x7] =	wrdreg s1;
	s30 =	sor.u32 s6, s26  }
0x10: {  	s26 =	simm.s32 $0x6900;
	s1 =	simm.s32 $0x12900;
	s7 =	sshrl.u32 s7, $0x3  }
0x11: {  	s14 =	ssub.s32 s5, s8;
	s8 =	sadd.s32 s25, s2;
	s25 =	simm.s32 $0x17A20  }
0x12: {  	s5 =	sadd.s32 s0, s7;
	s7 =	sadd.s32 $0x2000, s8;
	s14 =	smax.u32 s14, $0x1  }
0x13: {  	s0 =	sadd.s32 $0x2000, s5;
	[dreg:$0x8] =	wrdreg s7;
	s11 =	sadd.s32 $0x4000, s5  }
0x14: {  	v0 =	vlaneseq.u32;
	s12 =	sadd.s32 $0x6000, s5;
	[dreg:$0x6] =	wrdreg s0;
	s0 =	sshrl.u32 s30, $0x3  }
0x15: {  	v1 =	vimm.f32 $0.0e+00;
	v3 =	vimm.f32 $1.000000000e+00;
	v2 =	vor.u32 $0x10, v0;
	s13 =	sadd.s32 s3, s0;
	s0 =	simm.s32 $0x2;
	s3 =	simm.s32 $0x1BB20  }
.LBB2_1:
0x16: {  	[tilespmem:s17], [sflag:$0x1] =	stream.strided.gather [hbm4b:s5+s15], $0x8000, s16, s15, $0x38;
	[tilespmem:$0x1BC20] =	vst v63  }
0x17: {  	s6 =	rddreg [dreg:$0x6]  }
0x18: {  	[tilespmem:s18], [sflag:$0x2] =	stream.strided.gather [hbm4b:s6+s15], $0x8000, s16, s15, $0x38;
	[tilespmem:$0x1BC20] =	vst v63  }
0x19: {  	s6 =	simm.s32 $0x0  }
.LBB2_2:
0x1a: {  	p0 =	sne.s32 s6, $0x7F00  }
.Ltmp0:
0x1b: {  	s7 =	sshra.s32 s6, $0x2;
	(pc) =	sbr.rel @p0 .LBB2_2-.Ltmp0, $4  }
0x1c: {  	[tilespmem:s7+$0x14900] =	vst v1  }
0x1d: {  	[tilespmem:s7+$0x14910] =	vst v1  }
0x1e: {  	[tilespmem:s7+$0x14920] =	vst v1  }
0x1f: {  	s6 =	sadd.s32 $0x100, s6;
	[tilespmem:s7+$0x14930] =	vst v1  }
0x20: {  	s6 =	simm.s32 $0x0;
	s7 =	simm.s32 $0x200  }
.LBB2_4:
0x21: {  	p0 =	sne.s32 s7, $0x3E00;
	[tilespmem:s6+$0x16A70] =	vst v1  }
0x22: {  	[tilespmem:s6+$0x16A00] =	vst v1  }
0x23: {  	[tilespmem:s6+$0x16A10] =	vst v1  }
.Ltmp1:
0x24: {  	[tilespmem:s6+$0x16A20] =	vst v1;
	(pc) =	sbr.rel @p0 .LBB2_4-.Ltmp1, $4  }
0x25: {  	[tilespmem:s6+$0x16A30] =	vst v1  }
0x26: {  	[tilespmem:s6+$0x16A40] =	vst v1  }
0x27: {  	[tilespmem:s6+$0x16A50] =	vst v1  }
0x28: {  	[tilespmem:s6+$0x16A60] =	vst v1;
	s6 =	sshra.s32 s7, $0x2;
	s7 =	sadd.s32 $0x200, s7  }
0x29: {  	[tilespmem:s6+$0x16A70] =	vst v1  }
0x2a: {  	[tilespmem:s6+$0x16A00] =	vst v1  }
0x2b: {  	[tilespmem:s6+$0x16A10] =	vst v1  }
0x2c: {  	[tilespmem:s6+$0x16A20] =	vst v1  }
0x2d: {  	[tilespmem:s6+$0x16A30] =	vst v1  }
0x2e: {  	[tilespmem:s6+$0x16A40] =	vst v1  }
0x2f: {  	[tilespmem:s6+$0x16A50] =	vst v1  }
0x30: {  	[tilespmem:s6+$0x16A60] =	vst v1  }
0x31: {  	[tilespmem:$0x16900] =	vst v1  }
0x32: {  	[tilespmem:$0x16910] =	vst v1  }
0x33: {  	[tilespmem:$0x16920] =	vst v1  }
0x34: {  	[tilespmem:$0x16930] =	vst v1  }
0x35: {  	[tilespmem:$0x16940] =	vst v1  }
0x36: {  	[tilespmem:$0x16950] =	vst v1  }
0x37: {  	[tilespmem:$0x16960] =	vst v1  }
0x38: {  	[tilespmem:$0x16970] =	vst v1  }
0x39: {  	[tilespmem:$0x16980] =	vst v1  }
0x3a: {  	[tilespmem:$0x16990] =	vst v1  }
0x3b: {  	[tilespmem:$0x169A0] =	vst v1  }
0x3c: {  	[tilespmem:$0x169B0] =	vst v1  }
0x3d: {  	[tilespmem:$0x169C0] =	vst v1  }
0x3e: {  	[tilespmem:$0x169D0] =	vst v1  }
0x3f: {  	[tilespmem:$0x169E0] =	vst v1  }
0x40: {  	[tilespmem:$0x169F0] =	vst v1  }
0x41: {  	[tilespmem:$0x17A00] =	vst v0  }
0x42: {  	s6 =	simm.s32 $0x0;
	s7 =	rddreg [dreg:$0x7];
	[tilespmem:$0x17A10] =	vst v2  }
0x43: {  	[tilespmem:s19], [sflag:$0x3] =	stream.linear.gather [hbm4b:s7+s6], $0x800, $0x38;
	[tilespmem:$0x1BC20] =	vst v63  }
0x44: {  	_ =	swait.ge [sflag:s20], $0x800  }
0x45: {  	[sflag:s20] =	ssyncset.done $0x0  }
0x46: {  	[sflag:s20] =	ssyncadd.s32 $0xFFFFF800  }
0x47: {  	[spmem:s8] =	stream.linear.scatter [tilespmem:s21], [sflag:$0x3], $0x2000, $0x38;
	[tilespmem:$0x1BC20] =	vst v63  }
0x48: {  	_ =	swait.ge [sflag:s20], $0x2000  }
0x49: {  	[sflag:s20] =	ssyncset.done $0x0  }
0x4a: {  	s9 =	rddreg [dreg:$0x8];
	[sflag:s20] =	ssyncadd.s32 $0xFFFFE000  }
0x4b: {  	[spmem:s9] =	stream.linear.scatter [tilespmem:s21], [sflag:$0x3], $0x2000, $0x38;
	[tilespmem:$0x1BC20] =	vst v63  }
0x4c: {  	_ =	swait.ge [sflag:s20], $0x2000  }
0x4d: {  	[sflag:s20] =	ssyncset.done $0x0  }
0x4e: {  	s9 =	simm.s32 $0x16900;
	[sflag:s20] =	ssyncadd.s32 $0xFFFFE000  }
0x4f: {  	[spmem:s10] =	stream.linear.scatter [tilespmem:s9], [sflag:$0x3], $0x100, $0x38;
	[tilespmem:$0x1BC20] =	vst v63  }
0x50: {  	s9 =	sand.u32 $0x1E00, s6;
	_ =	swait.ge [sflag:s20], $0x100  }
0x51: {  	s6 =	sand.u32 $0x70, s6;
	s7 =	sshrl.u32 s9, $0x2;
	[sflag:s20] =	ssyncset.done $0x0  }
0x52: {  	s6 =	sor.u32 s6, s7;
	[sflag:s20] =	ssyncadd.s32 $0xFFFFFF00  }
0x53: {  	v4 =	vld [tilespmem:s6+$0x4100];
	_ =	sdelay $0x4  }
0x54: {  	s30 =	simm.s32 $0x40  }
0x55: {  	s30 =	sand.u32 $0x1E00, s30;
	s7 =	simm.s32 $0x80;
	s6 =	simm.s32 $0x10  }
.LBB2_6:
0x56: {  	p0 =	sne.s32 s7, $0x1FC0;
	s9 =	sand.u32 $0x70, s6;
	s30 =	sshrl.u32 s30, $0x2  }
0x57: {  	s9 =	sor.u32 s9, s30;
	[tilespmem:v4+s23+$0x0] =	vst.idx.add.f32.msk $0xffff, v3  }
0x58: {  	v4 =	vld [tilespmem:s9+$0x4100];
	_ =	sdelay $0x1  }
.Ltmp2:
0x59: {  	(pc) =	sbr.rel @p0 .LBB2_6-.Ltmp2, $2  }
0x5a: {  	_ =	sdelay $0x2  }
0x5b: {  	s6 =	sadd.s32 $0x10, s6;
	s30 =	sand.u32 $0x1E00, s7;
	s7 =	sadd.s32 $0x40, s7  }
0x5c: {  	_ =	sdelay $0x2  }
0x5d: {  	s6 =	sand.u32 $0x70, s6;
	s7 =	sshrl.u32 s30, $0x2  }
0x5e: {  	[tilespmem:v4+s23+$0x0] =	vst.idx.add.f32.msk $0xffff, v3;
	s6 =	sor.u32 s6, s7  }
0x5f: {  	v4 =	vld [tilespmem:s6+$0x4100];
	_ =	sdelay $0x7  }
0x60: {  	[tilespmem:v4+s23+$0x0] =	vst.idx.add.f32.msk $0xffff, v3  }
0x61: {  	[bflag:$0x0] =	sbarrier.arrive $0xFFFF  }
0x62: {  	_ =	swait.ge [sflag:s24], $0x8000  }
0x63: {  	[sflag:s24] =	ssyncset.done $0x0  }
0x64: {  	[sflag:s24] =	ssyncadd.s32 $0xFFFF8000  }
0x65: {  	[spmem:s2] =	stream.indirect.scatter.add.f32 [tilespmem:s17], [sflag:$0x3], $0x40, s19, s16, $0xb8;
	[tilespmem:$0x1BC20] =	vst v63  }
0x66: {  	_ =	swait.ge [sflag:s20], $0x2000  }
0x67: {  	[sflag:s20] =	ssyncset.done $0x0  }
0x68: {  	s7 =	simm.s32 $0x4180;
	[sflag:s20] =	ssyncadd.s32 $0xFFFFE000  }
0x69: {  	[spmem:s2] =	stream.indirect.scatter.add.f32 [tilespmem:s26], [sflag:$0x3], $0x40, s7, s16, $0xb8;
	[tilespmem:$0x1BC20] =	vst v63  }
0x6a: {  	_ =	swait.ge [sflag:s20], $0x2000  }
0x6b: {  	[sflag:s20] =	ssyncset.done $0x0  }
0x6c: {  	s9 =	simm.s32 $0x4200;
	[sflag:s20] =	ssyncadd.s32 $0xFFFFE000  }
0x6d: {  	[spmem:s2] =	stream.indirect.scatter.add.f32 [tilespmem:s29], [sflag:$0x3], $0x40, s9, s16, $0xb8;
	[tilespmem:$0x1BC20] =	vst v63  }
0x6e: {  	_ =	swait.ge [sflag:s20], $0x2000  }
0x6f: {  	[sflag:s20] =	ssyncset.done $0x0  }
0x70: {  	s7 =	simm.s32 $0x4280;
	[sflag:s20] =	ssyncadd.s32 $0xFFFFE000  }
0x71: {  	[spmem:s2] =	stream.indirect.scatter.add.f32 [tilespmem:s31], [sflag:$0x3], $0x40, s7, s16, $0xb8;
	[tilespmem:$0x1BC20] =	vst v63  }
0x72: {  	_ =	swait.ge [sflag:s20], $0x2000  }
0x73: {  	[sflag:s20] =	ssyncset.done $0x0  }
0x74: {  	[sflag:s20] =	ssyncadd.s32 $0xFFFFE000  }
0x75: {  	[tilespmem:s17], [sflag:$0x1] =	stream.strided.gather [hbm4b:s11+s15], $0x8000, s16, s15, $0x38;
	[tilespmem:$0x1BC20] =	vst v63  }
0x76: {  	_ =	swait.ge [sflag:s0], $0x8000  }
0x77: {  	[sflag:s0] =	ssyncset.done $0x0  }
0x78: {  	s9 =	simm.s32 $0x4300;
	[sflag:s0] =	ssyncadd.s32 $0xFFFF8000  }
0x79: {  	[spmem:s2] =	stream.indirect.scatter.add.f32 [tilespmem:s18], [sflag:$0x3], $0x40, s9, s16, $0xb8;
	[tilespmem:$0x1BC20] =	vst v63  }
0x7a: {  	_ =	swait.ge [sflag:s20], $0x2000  }
0x7b: {  	[sflag:s20] =	ssyncset.done $0x0  }
0x7c: {  	s7 =	simm.s32 $0x4380;
	[sflag:s20] =	ssyncadd.s32 $0xFFFFE000  }
0x7d: {  	[spmem:s2] =	stream.indirect.scatter.add.f32 [tilespmem:s22], [sflag:$0x3], $0x40, s7, s16, $0xb8;
	[tilespmem:$0x1BC20] =	vst v63  }
0x7e: {  	_ =	swait.ge [sflag:s20], $0x2000  }
0x7f: {  	[sflag:s20] =	ssyncset.done $0x0  }
0x80: {  	s9 =	simm.s32 $0x4400;
	[sflag:s20] =	ssyncadd.s32 $0xFFFFE000  }
0x81: {  	[spmem:s2] =	stream.indirect.scatter.add.f32 [tilespmem:s28], [sflag:$0x3], $0x40, s9, s16, $0xb8;
	[tilespmem:$0x1BC20] =	vst v63  }
0x82: {  	_ =	swait.ge [sflag:s20], $0x2000  }
0x83: {  	[sflag:s20] =	ssyncset.done $0x0  }
0x84: {  	s7 =	simm.s32 $0x4480;
	[sflag:s20] =	ssyncadd.s32 $0xFFFFE000  }
0x85: {  	[spmem:s2] =	stream.indirect.scatter.add.f32 [tilespmem:s1], [sflag:$0x3], $0x40, s7, s16, $0xb8;
	[tilespmem:$0x1BC20] =	vst v63  }
0x86: {  	_ =	swait.ge [sflag:s20], $0x2000  }
0x87: {  	[sflag:s20] =	ssyncset.done $0x0  }
0x88: {  	[sflag:s20] =	ssyncadd.s32 $0xFFFFE000  }
0x89: {  	[tilespmem:s18], [sflag:$0x2] =	stream.strided.gather [hbm4b:s12+s15], $0x8000, s16, s15, $0x38;
	[tilespmem:$0x1BC20] =	vst v63  }
0x8a: {  	_ =	swait.ge [sflag:s24], $0x8000  }
0x8b: {  	[sflag:s24] =	ssyncset.done $0x0  }
0x8c: {  	s9 =	simm.s32 $0x4500;
	[sflag:s24] =	ssyncadd.s32 $0xFFFF8000  }
0x8d: {  	[spmem:s2] =	stream.indirect.scatter.add.f32 [tilespmem:s17], [sflag:$0x3], $0x40, s9, s16, $0xb8;
	[tilespmem:$0x1BC20] =	vst v63  }
0x8e: {  	_ =	swait.ge [sflag:s20], $0x2000  }
0x8f: {  	[sflag:s20] =	ssyncset.done $0x0  }
0x90: {  	s7 =	simm.s32 $0x4580;
	[sflag:s20] =	ssyncadd.s32 $0xFFFFE000  }
0x91: {  	[spmem:s2] =	stream.indirect.scatter.add.f32 [tilespmem:s26], [sflag:$0x3], $0x40, s7, s16, $0xb8;
	[tilespmem:$0x1BC20] =	vst v63  }
0x92: {  	_ =	swait.ge [sflag:s20], $0x2000  }
0x93: {  	[sflag:s20] =	ssyncset.done $0x0  }
0x94: {  	s9 =	simm.s32 $0x4600;
	[sflag:s20] =	ssyncadd.s32 $0xFFFFE000  }
0x95: {  	[spmem:s2] =	stream.indirect.scatter.add.f32 [tilespmem:s29], [sflag:$0x3], $0x40, s9, s16, $0xb8;
	[tilespmem:$0x1BC20] =	vst v63  }
0x96: {  	_ =	swait.ge [sflag:s20], $0x2000  }
0x97: {  	[sflag:s20] =	ssyncset.done $0x0  }
0x98: {  	s7 =	simm.s32 $0x4680;
	[sflag:s20] =	ssyncadd.s32 $0xFFFFE000  }
0x99: {  	[spmem:s2] =	stream.indirect.scatter.add.f32 [tilespmem:s31], [sflag:$0x3], $0x40, s7, s16, $0xb8;
	[tilespmem:$0x1BC20] =	vst v63  }
0x9a: {  	_ =	swait.ge [sflag:s20], $0x2000  }
0x9b: {  	[sflag:s20] =	ssyncset.done $0x0  }
0x9c: {  	[sflag:s20] =	ssyncadd.s32 $0xFFFFE000  }
0x9d: {  	_ =	swait.ge [sflag:s0], $0x8000  }
0x9e: {  	[sflag:s0] =	ssyncset.done $0x0  }
0x9f: {  	s9 =	simm.s32 $0x4700;
	[sflag:s0] =	ssyncadd.s32 $0xFFFF8000  }
0xa0: {  	[spmem:s2] =	stream.indirect.scatter.add.f32 [tilespmem:s18], [sflag:$0x3], $0x40, s9, s16, $0xb8;
	[tilespmem:$0x1BC20] =	vst v63  }
0xa1: {  	_ =	swait.ge [sflag:s20], $0x2000  }
0xa2: {  	[sflag:s20] =	ssyncset.done $0x0  }
0xa3: {  	s7 =	simm.s32 $0x4780;
	[sflag:s20] =	ssyncadd.s32 $0xFFFFE000  }
0xa4: {  	[spmem:s2] =	stream.indirect.scatter.add.f32 [tilespmem:s22], [sflag:$0x3], $0x40, s7, s16, $0xb8;
	[tilespmem:$0x1BC20] =	vst v63  }
0xa5: {  	_ =	swait.ge [sflag:s20], $0x2000  }
0xa6: {  	[sflag:s20] =	ssyncset.done $0x0  }
0xa7: {  	s9 =	simm.s32 $0x4800;
	[sflag:s20] =	ssyncadd.s32 $0xFFFFE000  }
0xa8: {  	[spmem:s2] =	stream.indirect.scatter.add.f32 [tilespmem:s28], [sflag:$0x3], $0x40, s9, s16, $0xb8;
	[tilespmem:$0x1BC20] =	vst v63  }
0xa9: {  	_ =	swait.ge [sflag:s20], $0x2000  }
0xaa: {  	[sflag:s20] =	ssyncset.done $0x0  }
0xab: {  	s7 =	simm.s32 $0x4880;
	[sflag:s20] =	ssyncadd.s32 $0xFFFFE000  }
0xac: {  	[spmem:s2] =	stream.indirect.scatter.add.f32 [tilespmem:s1], [sflag:$0x3], $0x40, s7, s16, $0xb8;
	[tilespmem:$0x1BC20] =	vst v63  }
0xad: {  	_ =	swait.ge [sflag:s20], $0x2000  }
0xae: {  	[sflag:s20] =	ssyncset.done $0x0  }
0xaf: {  	[sflag:s20] =	ssyncadd.s32 $0xFFFFE000  }
0xb0: {  	s9 =	simm.s32 $0x17A00;
	s7 =	simm.s32 $0x20;
	s6 =	rddreg [dreg:$0x4]  }
0xb1: {  	[spmem:s6] =	stream.indirect.scatter.add.f32 [tilespmem:s23], [sflag:$0x3], $0x80, s9, s7, $0xb8;
	[tilespmem:$0x1BC20] =	vst v63  }
0xb2: {  	_ =	swait.ge [sflag:s20], $0x1000  }
0xb3: {  	[sflag:s20] =	ssyncset.done $0x0  }
0xb4: {  	[sflag:s20] =	ssyncadd.s32 $0xFFFFF000  }
0xb5: {  	[bflag:$0x0] =	sbarrier.arrive $0xFFFF  }
0xb6: {  	[tilespmem:s25], [sflag:$0x3] =	stream.linear.gather [spmem:s8], $0x4000, $0x38;
	[tilespmem:$0x1BC20] =	vst v63  }
0xb7: {  	_ =	swait.ge [sflag:s20], $0x4000  }
0xb8: {  	[sflag:s20] =	ssyncset.done $0x0  }
0xb9: {  	s9 =	simm.s32 $0x1BA20;
	[sflag:s20] =	ssyncadd.s32 $0xFFFFC000  }
0xba: {  	[tilespmem:s9], [sflag:$0x3] =	stream.linear.gather [spmem:s10], $0x100, $0x38;
	[tilespmem:$0x1BC20] =	vst v63  }
0xbb: {  	_ =	swait.ge [sflag:s20], $0x100  }
0xbc: {  	[sflag:s20] =	ssyncset.done $0x0  }
0xbd: {  	[sflag:s20] =	ssyncadd.s32 $0xFFFFFF00  }
0xbe: {  	v4 =	vld [tilespmem:$0x1BA20]  }
0xbf: {  	v5 =	vld [tilespmem:$0x1BA30]  }
0xc0: {  	v6 =	vld [tilespmem:$0x1BA40]  }
0xc1: {  	v7 =	vld [tilespmem:$0x1BA50]  }
0xc2: {  	v8 =	vld [tilespmem:$0x1BA60]  }
0xc3: {  	v9 =	vld [tilespmem:$0x1BA70];
	v4 =	vmax.f32 v4, $1.000000000e+00  }
0xc4: {  	(erf) = vrcp.f32 v4;
	v4 =	vmax.f32 v5, $1.000000000e+00;
	v5 =	vld [tilespmem:$0x1BA80]  }
0xc5: {  	(erf) = vrcp.f32 v4;
	v4 =	vmax.f32 v6, $1.000000000e+00;
	v6 =	vld [tilespmem:$0x1BA90]  }
0xc6: {  	(erf) = vrcp.f32 v4;
	v4 =	vmax.f32 v7, $1.000000000e+00;
	v7 =	vld [tilespmem:$0x1BAA0]  }
0xc7: {  	(erf) = vrcp.f32 v4;
	v4 =	vmax.f32 v8, $1.000000000e+00;
	v8 =	vld [tilespmem:$0x1BAB0]  }
0xc8: {  	(erf) = vrcp.f32 v4;
	v4 =	vmax.f32 v9, $1.000000000e+00;
	v9 =	vld [tilespmem:$0x1BAC0]  }
0xc9: {  	(erf) = vrcp.f32 v4;
	v4 =	vmax.f32 v5, $1.000000000e+00;
	v5 =	vld [tilespmem:$0x1BAD0]  }
0xca: {  	(erf) = vrcp.f32 v4;
	v4 =	vmax.f32 v6, $1.000000000e+00;
	v6 =	vld [tilespmem:$0x1BAE0]  }
0xcb: {  	(erf) = vrcp.f32 v4;
	v4 =	vmax.f32 v7, $1.000000000e+00;
	v7 =	vld [tilespmem:$0x1BAF0]  }
0xcc: {  	(erf) = vrcp.f32 v4;
	v4 =	vmax.f32 v8, $1.000000000e+00;
	v8 =	vld [tilespmem:$0x1BB00]  }
0xcd: {  	v10 =	vpop (erf);
	(erf) = vrcp.f32 v4;
	v4 =	vmax.f32 v9, $1.000000000e+00;
	v9 =	vld [tilespmem:$0x1BB10]  }
0xce: {  	[tilespmem:$0x1BB20] =	vst v10;
	v10 =	vpop (erf);
	(erf) = vrcp.f32 v4;
	v4 =	vmax.f32 v5, $1.000000000e+00  }
0xcf: {  	v5 =	vpop (erf);
	(erf) = vrcp.f32 v4;
	v4 =	vmax.f32 v6, $1.000000000e+00  }
0xd0: {  	[tilespmem:$0x1BB40] =	vst v5;
	v5 =	vpop (erf);
	(erf) = vrcp.f32 v4;
	v4 =	vmax.f32 v7, $1.000000000e+00  }
0xd1: {  	[tilespmem:$0x1BB50] =	vst v5;
	v5 =	vpop (erf);
	(erf) = vrcp.f32 v4;
	v4 =	vmax.f32 v8, $1.000000000e+00  }
0xd2: {  	[tilespmem:$0x1BB60] =	vst v5;
	v5 =	vpop (erf);
	(erf) = vrcp.f32 v4;
	v4 =	vmax.f32 v9, $1.000000000e+00  }
0xd3: {  	[tilespmem:$0x1BB30] =	vst v10  }
0xd4: {  	[tilespmem:$0x1BB70] =	vst v5;
	v5 =	vpop (erf);
	(erf) = vrcp.f32 v4  }
0xd5: {  	[tilespmem:$0x1BB80] =	vst v5;
	v4 =	vpop (erf)  }
0xd6: {  	v5 =	vpop (erf);
	[tilespmem:$0x1BB90] =	vst v4  }
0xd7: {  	v4 =	vpop (erf);
	[tilespmem:$0x1BBA0] =	vst v5  }
0xd8: {  	v5 =	vpop (erf);
	[tilespmem:$0x1BBB0] =	vst v4  }
0xd9: {  	v4 =	vpop (erf);
	[tilespmem:$0x1BBC0] =	vst v5  }
0xda: {  	v5 =	vpop (erf);
	[tilespmem:$0x1BBD0] =	vst v4  }
0xdb: {  	s7 =	simm.s32 $0x0;
	v4 =	vpop (erf);
	[tilespmem:$0x1BBE0] =	vst v5  }
0xdc: {  	v5 =	vpop (erf);
	[tilespmem:$0x1BBF0] =	vst v4;
	v4 =	vmov s7  }
0xdd: {  	[tilespmem:$0x1BC00] =	vst v5;
	v5 =	vpop (erf)  }
0xde: {  	s30 =	simm.s32 $0x17A40;
	[tilespmem:$0x1BC10] =	vst v5  }
0xdf: {  	v6 =	vld [tilespmem:s30+$0xFFFFFFF0]  }
0xe0: {  	v7 =	vld [tilespmem:s30+$0x10]  }
0xe1: {  	v9 =	vld.idx.msk [tilespmem:v4+s3+$0x0], $0xffff  }
0xe2: {  	v4 =	vld [tilespmem:s30+$0xFFFFFFE0]  }
0xe3: {  	v10 =	vld [tilespmem:s30+$0x0];
	_ =	sdelay $0x3  }
0xe4: {  	s9 =	simm.s32 $0x1;
	v5 =	vmul.f32 v4, v9;
	v8 =	vmul.f32 v7, v9  }
0xe5: {  	s6 =	simm.s32 $0x2;
	s7 =	simm.s32 $0x17A40;
	v4 =	vmov s9;
	v7 =	vmul.f32 v6, v9;
	v6 =	vmul.f32 v10, v9  }
.LBB2_8:
0xe6: {  	p0 =	sne.s32 s6, $0xFF  }
0xe7: {  	[tilespmem:s30+$0x10] =	vst v8;
	s7 =	sadd.s32 $0x40, s7;
	s9 =	smov.u32 s6;
	s6 =	sadd.s32 $0x1, s6  }
0xe8: {  	[tilespmem:s30+$0xFFFFFFE0] =	vst v5  }
0xe9: {  	v9 =	vld [tilespmem:s7+$0xFFFFFFF0];
	[tilespmem:s30+$0xFFFFFFF0] =	vst v7  }
0xea: {  	v7 =	vld [tilespmem:s7+$0x10];
	[tilespmem:s30+$0x0] =	vst v6;
	s30 =	smov.u32 s7  }
0xeb: {  	v6 =	vld.idx.msk [tilespmem:v4+s3+$0x0], $0xffff  }
0xec: {  	v4 =	vld [tilespmem:s7+$0xFFFFFFE0]  }
0xed: {  	v10 =	vld [tilespmem:s7+$0x0]  }
.Ltmp3:
0xee: {  	(pc) =	sbr.rel @p0 .LBB2_8-.Ltmp3, $3  }
0xef: {  	_ =	sdelay $0x1  }
0xf0: {  	v8 =	vmul.f32 v7, v6;
	v5 =	vmul.f32 v4, v6  }
0xf1: {  	v7 =	vmul.f32 v9, v6;
	v4 =	vmov s9;
	v6 =	vmul.f32 v10, v6  }
0xf2: {  	[tilespmem:s30+$0x10] =	vst v8  }
0xf3: {  	s6 =	sadd.s32 $0x40, s7;
	[tilespmem:s30+$0xFFFFFFE0] =	vst v5  }
0xf4: {  	v5 =	vld [tilespmem:s6+$0xFFFFFFF0];
	[tilespmem:s30+$0xFFFFFFF0] =	vst v7  }
0xf5: {  	v7 =	vld [tilespmem:s6+$0x10];
	[tilespmem:s30+$0x0] =	vst v6  }
0xf6: {  	v4 =	vld.idx.msk [tilespmem:v4+s3+$0x0], $0xffff  }
0xf7: {  	v6 =	vld [tilespmem:s6+$0xFFFFFFE0];
	_ =	sdelay $0x1  }
0xf8: {  	v8 =	vld [tilespmem:s6+$0x0];
	_ =	sdelay $0x1  }
0xf9: {  	v7 =	vmul.f32 v7, v4  }
0xfa: {  	v6 =	vmul.f32 v6, v4  }
0xfb: {  	v5 =	vmul.f32 v5, v4;
	[tilespmem:s6+$0x10] =	vst v7  }
0xfc: {  	s4 =	sadd.s32 $0x1, s4;
	v4 =	vmul.f32 v8, v4;
	[tilespmem:s6+$0xFFFFFFE0] =	vst v6  }
0xfd: {  	p0 =	sne.s32 s4, s14;
	[tilespmem:s6+$0xFFFFFFF0] =	vst v5  }
.Ltmp4:
0xfe: {  	[tilespmem:s6+$0x0] =	vst v4;
	(pc) =	sbr.rel @p0 .LBB2_1-.Ltmp4, $4  }
0xff: {  	[hbm4b:s13+s15] =	stream.strided.scatter [tilespmem:s25], [sflag:$0x3], $0x4000, s16, s15, $0x38;
	[tilespmem:$0x1BC20] =	vst v63  }
0x100: {  	_ =	swait.ge [sflag:s20], $0x4000  }
0x101: {  	[sflag:s20] =	ssyncset.done $0x0  }
0x102: {  	[sflag:s20] =	ssyncadd.s32 $0xFFFFC000  }
0x103: {  	_ =	sfence.sel $0x180000  }
0x104: {  	[bflag:$0x0] =	sbarrier.arrive $0xFFFF  }
0x105: {  	_ =	strace $0x90000047  }
0x106: {  	s0 =	stileid.u32;
	[bflag:$0x2] =	sbarrier.arrive $0xFFFF  }
0x107: {  	p0 =	sne.s32 s0, $0x0;
	s0 =	rddreg [dreg:$0x5]  }
0x108: {  	s0 =	sadd.s32 @!p0 $0x100000, s0  }
0x109: {  	[sflag:s0] =	ssyncadd.tile.s32 @!p0 $0x1;
	_ =	shalt  }
.Lfunc_end2:
_tile_overlayer_lowered:
.L_overlay_start_2:
0x10a: {  	(tag) =	ssettag $0x2  }
0x10b: {  	s0 =	rddreg [dreg:$0x0];
	s2 =	stileid.u32  }
0x10c: {  	s1 =	rddreg [dreg:$0x1];
	p0 =	sne.s32 s2, $0x0  }
0x10d: {  	s3 =	rddreg [dreg:$0x2];
	[bflag:$0x3] =	sbarrier.arrive $0xFFFF;
	s2 =	simm.s32 @!p0 $0x1C03  }
0x10e: {  	[timem:s3], [sflag:s2] =	dma.local @!p0 [hbm:s0], s1  }
0x10f: {  	s0 =	simm.s32 @!p0 $0x3  }
0x110: {  	_ =	swait.ge @!p0 [sflag:s0], s1  }
0x111: {  	s1 =	ssub.s32 @!p0 $0x0, s1;
	[sflag:s0] =	ssyncset.done @!p0 $0x0  }
0x112: {  	[sflag:s0] =	ssyncadd.s32 @!p0 s1  }
0x113: {  	[bflag:$0x3] =	sbarrier.arrive $0xFFFF  }
0x114: {  	_ =	shalt  }

</sc_bundles>
